<compile_context>
chip_gen: v7x
topology: tpu7x:2x2x1
jax: 0.10.2.dev20260603
libtpu: 0.0.44.dev20260713+nightly
codegen_flags: <defaults>
</compile_context>

<pallas_src>
import functools

import jax
import jax.numpy as jnp
from jax import lax
from jax.experimental import pallas as pl
from jax.experimental.pallas import tpu as pltpu
from jax.experimental.pallas import tpu_sc as plsc

NN = 10000
NP = 10240
EE = 160000
EPAD = 163840
NWORK = 32
EPT = EPAD // NWORK
CHUNK = 128
NCHUNK = EPT // CHUNK
NBUF = 3
NPA = 10112
DD = 256
HH = 128
VV = 119
BLK = 512
GRID = NP // BLK

_HI = lax.Precision.HIGHEST
_mesh = plsc.VectorSubcoreMesh(core_axis_name="c", subcore_axis_name="s")


def _dot(a, b):
    return lax.dot_general(a, b, (((1,), (0,)), ((), ())),
                           precision=_HI, preferred_element_type=jnp.float32)


def _dot_t(a, b):
    return lax.dot_general(a, b, (((0,), (0,)), ((), ())),
                           precision=_HI, preferred_element_type=jnp.float32)



@functools.partial(
    pl.kernel, mesh=_mesh,
    out_type=jax.ShapeDtypeStruct((NWORK, NP), jnp.float32),
    compiler_params=pltpu.CompilerParams(needs_layout_passes=False),
    scratch_types=[pltpu.VMEM((NP,), jnp.float32),
                   pltpu.VMEM((CHUNK,), jnp.int32)])
def _sc_deg(dst_hbm, out_hbm, acc_v, idx_v):
    wid = lax.axis_index("s") * 2 + lax.axis_index("c")

    def zero(i, carry):
        acc_v[pl.ds(i * 16, 16)] = jnp.zeros((16,), jnp.float32)
        return carry
    lax.fori_loop(0, NP // 16, zero, 0)

    base = wid * EPT
    ones16 = jnp.ones((16,), jnp.float32)

    def chunk(ci, carry):
        pltpu.sync_copy(dst_hbm.at[pl.ds(base + ci * CHUNK, CHUNK)], idx_v)

        def grp(gi, c2):
            idx = idx_v[pl.ds(gi * 16, 16)]
            plsc.addupdate_scatter(acc_v, [idx], ones16)
            return c2
        return lax.fori_loop(0, CHUNK // 16, grp, carry)
    lax.fori_loop(0, NCHUNK, chunk, 0)
    pltpu.sync_copy(acc_v, out_hbm.at[wid])


@functools.partial(
    pl.kernel, mesh=_mesh,
    out_type=[jax.ShapeDtypeStruct((2, NP * HH), jnp.float32),
              jax.ShapeDtypeStruct((NWORK, NP), jnp.float32)],
    compiler_params=pltpu.CompilerParams(needs_layout_passes=False),
    scratch_types=[pltpu.VMEM((NP,), jnp.float32),
                   pltpu.VMEM((NP,), jnp.int32),
                   pltpu.VMEM((NP,), jnp.float32),
                   pltpu.VMEM((CHUNK,), jnp.int32),
                   pltpu.VMEM((CHUNK,), jnp.int32),
                   pltpu.VMEM((CHUNK,), jnp.int32),
                   pltpu.VMEM((CHUNK,), jnp.float32),
                   pltpu.VMEM_SHARED((NP * HH,), jnp.float32)])
def _sc_hist(src_hbm, dst_hbm, dinv_hbm, types_hbm, zerosf_hbm,
             mout_hbm, cout_hbm,
             dv_v, ty_v, acc_v, sidx_v, didx_v, flat_v, vals_v, accm):
    c = lax.axis_index("c")
    s = lax.axis_index("s")
    wid = s * 2 + c
    rows_per_w = (NP * HH) // 16
    rr = s * rows_per_w
    pltpu.sync_copy(dinv_hbm, dv_v)
    pltpu.sync_copy(types_hbm, ty_v)
    pltpu.sync_copy(zerosf_hbm.at[pl.ds(rr, rows_per_w)],
                    accm.at[pl.ds(rr, rows_per_w)])

    def zero(i, carry):
        acc_v[pl.ds(i * 16, 16)] = jnp.zeros((16,), jnp.float32)
        return carry
    lax.fori_loop(0, NP // 16, zero, 0)
    plsc.subcore_barrier()

    base = wid * EPT

    def chunk(ci, carry):
        pltpu.sync_copy(src_hbm.at[pl.ds(base + ci * CHUNK, CHUNK)], sidx_v)
        pltpu.sync_copy(dst_hbm.at[pl.ds(base + ci * CHUNK, CHUNK)], didx_v)

        def grp(gi, c2):
            sidx = sidx_v[pl.ds(gi * 16, 16)]
            didx = didx_v[pl.ds(gi * 16, 16)]
            cval = plsc.load_gather(dv_v, [didx])
            plsc.addupdate_scatter(acc_v, [sidx], cval)
            mval = plsc.load_gather(dv_v, [sidx])
            t16 = plsc.load_gather(ty_v, [sidx])
            flat_v[pl.ds(gi * 16, 16)] = didx * HH + t16
            vals_v[pl.ds(gi * 16, 16)] = mval
            return c2
        lax.fori_loop(0, CHUNK // 16, grp, 0)
        pltpu.sync_copy(vals_v, accm.at[flat_v], add=True)
        return carry
    lax.fori_loop(0, NCHUNK, chunk, 0)
    pltpu.sync_copy(acc_v, cout_hbm.at[wid])
    plsc.subcore_barrier()
    pltpu.sync_copy(accm.at[pl.ds(rr, rows_per_w)],
                    mout_hbm.at[c, pl.ds(rr, rows_per_w)])


@functools.partial(
    pl.kernel, mesh=_mesh,
    out_type=jax.ShapeDtypeStruct((2, NP, HH), jnp.float32),
    compiler_params=pltpu.CompilerParams(needs_layout_passes=False),
    scratch_types=[pltpu.VMEM((CHUNK,), jnp.int32),
                   pltpu.VMEM((CHUNK,), jnp.int32),
                   pltpu.VMEM((CHUNK,), jnp.int32),
                   pltpu.VMEM((CHUNK,), jnp.int32),
                   pltpu.VMEM((CHUNK,), jnp.int32),
                   pltpu.VMEM((CHUNK,), jnp.int32),
                   pltpu.VMEM((CHUNK, HH), jnp.float32),
                   pltpu.VMEM((CHUNK, HH), jnp.float32),
                   pltpu.VMEM((CHUNK, HH), jnp.float32),
                   pltpu.VMEM_SHARED((NPA, HH), jnp.float32),
                   pltpu.SemaphoreType.DMA,
                   pltpu.SemaphoreType.DMA,
                   pltpu.SemaphoreType.DMA])
def _sc_rowscat(hs_hbm, src_hbm, dst_hbm, zeros_hbm, out_hbm,
                si0, si1, si2, di0, di1, di2, rb0, rb1, rb2, accs,
                gs0, gs1, gs2):
    c = lax.axis_index("c")
    s = lax.axis_index("s")
    wid = s * 2 + c
    rows_per = NPA // 16
    rr = s * rows_per
    pltpu.sync_copy(zeros_hbm.at[pl.ds(rr, rows_per)],
                    accs.at[pl.ds(rr, rows_per)])
    plsc.subcore_barrier()

    base = wid * EPT
    sidx = (si0, si1, si2)
    didx = (di0, di1, di2)
    rows = (rb0, rb1, rb2)
    gsem = (gs0, gs1, gs2)

    def load_fire(ci, b):
        off = base + ci * CHUNK
        pltpu.sync_copy(src_hbm.at[pl.ds(off, CHUNK)], sidx[b])
        pltpu.sync_copy(dst_hbm.at[pl.ds(off, CHUNK)], didx[b])
        pltpu.async_copy(hs_hbm.at[sidx[b]], rows[b], gsem[b])

    load_fire(0, 0)
    load_fire(1, 1)

    def tri(q, carry):
        for b in range(NBUF):
            ci = q * NBUF + b

            @pl.when(ci + 2 < NCHUNK)
            def _():
                load_fire(ci + 2, (b + 2) % NBUF)

            pltpu.make_async_copy(
                hs_hbm.at[sidx[b]], rows[b], gsem[b]).wait()
            pltpu.sync_copy(rows[b], accs.at[didx[b]], add=True)
        return carry
    lax.fori_loop(0, (NCHUNK - 1) // NBUF, tri, 0)

    lb = (NCHUNK - 1) % NBUF
    pltpu.make_async_copy(
        hs_hbm.at[sidx[lb]], rows[lb], gsem[lb]).wait()
    pltpu.sync_copy(rows[lb], accs.at[didx[lb]], add=True)

    plsc.subcore_barrier()
    pltpu.sync_copy(accs.at[pl.ds(rr, rows_per)],
                    out_hbm.at[c, pl.ds(rr, rows_per)])



def _t1_body(tok_ref, w1_ref, out_ref):
    out_ref[...] = _dot(tok_ref[...], w1_ref[...])


_tc_t1 = pl.pallas_call(
    _t1_body,
    out_shape=jax.ShapeDtypeStruct((128, HH), jnp.float32),
)


def _dinv_body(degp_ref, out_ref):
    g = pl.program_id(0)
    s = _dot_t(degp_ref[...], jnp.ones((NWORK, HH), jnp.float32))
    dv = lax.rsqrt(s + 1.0)
    row = lax.broadcasted_iota(jnp.int32, (BLK, HH), 0) + g * BLK
    out_ref[...] = jnp.where(row < NN, dv, 0.0)


_tc_dinv = pl.pallas_call(
    _dinv_body,
    grid=(GRID,),
    in_specs=[pl.BlockSpec((NWORK, BLK), lambda g: (0, g))],
    out_specs=pl.BlockSpec((BLK, HH), lambda g: (g, 0)),
    out_shape=jax.ShapeDtypeStruct((NP, HH), jnp.float32),
)


def _hs1_body(t8_ref, t1_ref, dv_ref, out_ref):
    t2d = _dot_t(t8_ref[...], jnp.ones((8, 128), jnp.float32))
    lane = lax.broadcasted_iota(jnp.int32, (BLK, 128), 1).astype(jnp.float32)
    oh = jnp.where(t2d == lane, 1.0, 0.0).astype(jnp.float32)
    out_ref[...] = _dot(oh, t1_ref[...]) * dv_ref[...]


_tc_hs1 = pl.pallas_call(
    _hs1_body,
    grid=(GRID,),
    in_specs=[pl.BlockSpec((8, BLK), lambda g: (0, g)),
              pl.BlockSpec((128, HH), lambda g: (0, 0)),
              pl.BlockSpec((BLK, HH), lambda g: (g, 0))],
    out_specs=pl.BlockSpec((BLK, HH), lambda g: (g, 0)),
    out_shape=jax.ShapeDtypeStruct((NP, HH), jnp.float32),
)


def _layer1_body(m0_ref, m1_ref, t1_ref, hs_ref, dv_ref, b_ref, w_ref,
                 out_ref):
    dv = dv_ref[...]
    s1 = _dot(m0_ref[...] + m1_ref[...], t1_ref[...])
    x = jnp.maximum((s1 + hs_ref[...]) * dv + b_ref[...], 0.0)
    out_ref[...] = _dot(x, w_ref[...]) * dv


_tc_layer1 = pl.pallas_call(
    _layer1_body,
    grid=(GRID,),
    in_specs=[pl.BlockSpec((BLK, HH), lambda g: (g, 0)),
              pl.BlockSpec((BLK, HH), lambda g: (g, 0)),
              pl.BlockSpec((128, HH), lambda g: (0, 0)),
              pl.BlockSpec((BLK, HH), lambda g: (g, 0)),
              pl.BlockSpec((BLK, HH), lambda g: (g, 0)),
              pl.BlockSpec((1, HH), lambda g: (0, 0)),
              pl.BlockSpec((HH, HH), lambda g: (0, 0))],
    out_specs=pl.BlockSpec((BLK, HH), lambda g: (g, 0)),
    out_shape=jax.ShapeDtypeStruct((NP, HH), jnp.float32),
)


def _final_body(p0_ref, p1_ref, hs_ref, dv_ref, b2_ref, cp_ref, w3_ref,
                b3_ref, r_ref, out_ref):
    g = pl.program_id(0)
    dv = dv_ref[...]
    p = jnp.where(dv > 0.0, p0_ref[...] + p1_ref[...], 0.0)
    x3 = jnp.maximum((p + hs_ref[...]) * dv + b2_ref[...], 0.0)
    c2d = _dot_t(cp_ref[...], jnp.ones((NWORK, HH), jnp.float32))
    w2d = dv * (c2d + dv)

    @pl.when(g == 0)
    def _():
        r_ref[...] = jnp.zeros((HH, HH), jnp.float32)

    r_ref[...] += _dot_t(w2d, x3)

    @pl.when(g == GRID - 1)
    def _():
        r = r_ref[0:1, :] * (1.0 / NN)
        out_ref[...] = _dot(r, w3_ref[...]) + b3_ref[...]


_tc_final = pl.pallas_call(
    _final_body,
    grid=(GRID,),
    in_specs=[pl.BlockSpec((BLK, HH), lambda g: (g, 0)),
              pl.BlockSpec((BLK, HH), lambda g: (g, 0)),
              pl.BlockSpec((BLK, HH), lambda g: (g, 0)),
              pl.BlockSpec((BLK, HH), lambda g: (g, 0)),
              pl.BlockSpec((1, HH), lambda g: (0, 0)),
              pl.BlockSpec((NWORK, BLK), lambda g: (0, g)),
              pl.BlockSpec((HH, DD), lambda g: (0, 0)),
              pl.BlockSpec((1, DD), lambda g: (0, 0))],
    out_specs=[pl.BlockSpec((HH, HH), lambda g: (0, 0)),
               pl.BlockSpec((1, DD), lambda g: (0, 0))],
    out_shape=[jax.ShapeDtypeStruct((HH, HH), jnp.float32),
               jax.ShapeDtypeStruct((1, DD), jnp.float32)],
)



def kernel(atom_types, edge_index, tok_embed, W1, b1, W2, b2, W3, b3):
    f32 = jnp.float32
    src = edge_index[0].astype(jnp.int32)
    dst = edge_index[1].astype(jnp.int32)
    pad_e = EPAD - EE
    srcp = jnp.concatenate([src, jnp.zeros((pad_e,), jnp.int32)])
    dstp = jnp.concatenate([dst, jnp.full((pad_e,), NN, jnp.int32)])
    t8 = jnp.zeros((8, NP), f32).at[0, :NN].set(atom_types.astype(f32))
    tokp = jnp.zeros((128, DD), f32).at[:VV].set(tok_embed)
    zeros_big = jnp.zeros((NP, HH), f32)
    b1r = b1.reshape(1, HH)
    b2r = b2.reshape(1, HH)
    b3r = b3.reshape(1, DD)

    types_p = jnp.zeros((NP,), jnp.int32).at[:NN].set(atom_types.astype(jnp.int32))
    zeros_flat = zeros_big.reshape(NP * HH)

    degp = _sc_deg(dstp)
    dinv2d = _tc_dinv(degp)
    dinv1d = dinv2d[:, 0]
    mp, cp = _sc_hist(srcp, dstp, dinv1d, types_p, zeros_flat)
    m0 = mp[0].reshape(NP, HH)
    m1 = mp[1].reshape(NP, HH)
    t1 = _tc_t1(tokp, W1)
    hs1 = _tc_hs1(t8, t1, dinv2d)
    hs2 = _tc_layer1(m0, m1, t1, hs1, dinv2d, b1r, W2)
    p2 = _sc_rowscat(hs2, srcp, dstp, zeros_big)
    _, out = _tc_final(p2[0], p2[1], hs2, dinv2d, b2r, cp, W3, b3r)
    return out[0]

# --- scband reference (transcript-rebuilt; emitter-appended) ---
"""Pipeline reference for scband-drug-encoder-77171972374943 (READ-ONLY COPY).

The authoritative reference and input builder live on the scoring server;
editing this copy changes nothing except your own understanding.
"""

import jax, jax.numpy as jnp
import numpy as np

N = 10000
E = 160000
D = 256
H = 128
V = 119


def setup_inputs(seed: int = 0) -> dict:
    key = jax.random.key(seed)
    ks = jax.random.split(key, 10)
    atom_types = jax.random.randint(ks[0], (N,), 0, V, dtype=jnp.int64) if jax.config.jax_enable_x64 else jax.random.randint(ks[0], (N,), 0, V).astype(jnp.int32)
    edge_index = jax.random.randint(ks[1], (2, E), 0, N).astype(jnp.int32)
    tok_embed = jax.random.normal(ks[2], (V, D), dtype=jnp.float32)
    W1 = jax.random.normal(ks[3], (D, H), dtype=jnp.float32) * (1.0 / np.sqrt(D))
    b1 = jnp.zeros((H,), dtype=jnp.float32)
    W2 = jax.random.normal(ks[4], (H, H), dtype=jnp.float32) * (1.0 / np.sqrt(H))
    b2 = jnp.zeros((H,), dtype=jnp.float32)
    W3 = jax.random.normal(ks[5], (H, D), dtype=jnp.float32) * (1.0 / np.sqrt(H))
    b3 = jnp.zeros((D,), dtype=jnp.float32)
    return {"atom_types": atom_types, "edge_index": edge_index, "tok_embed": tok_embed,
            "W1": W1, "b1": b1, "W2": W2, "b2": b2, "W3": W3, "b3": b3}


def _gcn_conv(x, src, dst, W, b, num_nodes):
    # PyG GCNConv: h = x @ W; propagate with sym-norm (self loops already appended); then + b
    h = x @ W
    deg = jax.ops.segment_sum(jnp.ones(dst.shape[0], dtype=h.dtype), dst, num_segments=num_nodes)
    dinv = jnp.where(deg > 0, jax.lax.rsqrt(jnp.maximum(deg, 1e-12)), 0.0)
    norm = dinv[src] * dinv[dst]
    msg = h[src] * norm[:, None]
    agg = jax.ops.segment_sum(msg, dst, num_segments=num_nodes)
    return agg + b


def reference(atom_types, edge_index, tok_embed, W1, b1, W2, b2, W3, b3):
    loops = jnp.arange(N, dtype=edge_index.dtype)
    src = jnp.concatenate([edge_index[0], loops])
    dst = jnp.concatenate([edge_index[1], loops])
    x = jnp.take(tok_embed, atom_types, axis=0)
    x = jax.nn.relu(_gcn_conv(x, src, dst, W1, b1, N))
    x = jax.nn.relu(_gcn_conv(x, src, dst, W2, b2, N))
    x = _gcn_conv(x, src, dst, W3, b3, N)
    return x.mean(axis=0)

if __name__ == "__main__":
    import jax
    _d = setup_inputs()
    print(jax.jit(kernel)(*tuple(_d.values())))

</pallas_src>

<mosaic_0001>
#map = affine_map<(d0, d1) -> (0)>
#map1 = affine_map<(d0, d1) -> (0, 0)>
module attributes {stable_mosaic.version = 14 : i64} {
  func.func @_sc_deg(%arg0: i32, %arg1: i32, %arg2: memref<163840xi32, #tpu.memory_space<hbm>>, %arg3: memref<32x10240xf32, #tpu.memory_space<hbm>>, %arg4: memref<10240xf32, #tpu.memory_space<vmem>>, %arg5: memref<128xi32, #tpu.memory_space<vmem>>) attributes {dimension_semantics = [#tpu.dimension_semantics<core_parallel>, #tpu.dimension_semantics<subcore_parallel>], iteration_bounds = array<i64: 2, 16>, scalar_prefetch = 0 : i64, scratch_operands = 2 : i64, tpu.core_type = #tpu.core_type<sc_vector_subcore>, window_params = [{transform_indices = #map}, {transform_indices = #map1}]} {
    %mul3A = arith.constant 2 : i32
    %mul3A_0 = arith.muli %arg1, %mul3A : i32
    %add3A = arith.addi %mul3A_0, %arg0 : i32
    %scan3A = arith.constant 0 : i32
    %scan3A_1 = arith.constant 0 : i32
    %scan3A_2 = arith.constant 640 : i32
    %scan3A_3 = arith.addi %scan3A_1, %scan3A_2 : i32
    %scan3A_4 = arith.constant 1 : i32
    scf.for %scan3A_15 = %scan3A_1 to %scan3A_3 step %scan3A_4  : i32 {
      %broadcast_in_dim3A_16 = arith.constant 0.000000e+00 : f32
      %broadcast_in_dim3A_17 = vector.broadcast %broadcast_in_dim3A_16 : f32 to vector<16xf32>
      %mul3A_18 = arith.constant 16 : i32
      %mul3A_19 = arith.muli %scan3A_15, %mul3A_18 : i32
      %swap3A = arith.index_cast %mul3A_19 : i32 to index
      %swap3A_20 = tpu.vector_load %arg4[%swap3A] {strides = array<i32>} : memref<10240xf32, #tpu.memory_space<vmem>>, vector<16xf32>,
      tpu.vector_store %arg4[%swap3A], %broadcast_in_dim3A_17 {strides = array<i32>} : memref<10240xf32, #tpu.memory_space<vmem>>, vector<16xf32>,
    }
    %scan3A_5 = arith.constant 640 : i32
    %mul3A_6 = arith.constant 5120 : i32
    %mul3A_7 = arith.muli %add3A, %mul3A_6 : i32
    %broadcast_in_dim3A = arith.constant 1.000000e+00 : f32
    %broadcast_in_dim3A_8 = vector.broadcast %broadcast_in_dim3A : f32 to vector<16xf32>
    %scan3A_9 = arith.constant 0 : i32
    %scan3A_10 = arith.constant 0 : i32
    %scan3A_11 = arith.constant 40 : i32
    %scan3A_12 = arith.addi %scan3A_10, %scan3A_11 : i32
    %scan3A_13 = arith.constant 1 : i32
    scf.for %scan3A_15 = %scan3A_10 to %scan3A_12 step %scan3A_13  : i32 {
      %mul3A_16 = arith.constant 128 : i32
      %mul3A_17 = arith.muli %scan3A_15, %mul3A_16 : i32
      %add3A_18 = arith.addi %mul3A_7, %mul3A_17 : i32
      "tpu.region"() ({
        %run_scoped3A = tpu.sem_alloc : memref<!tpu.dma_semaphore, #tpu.memory_space<semaphore_mem>>
        %dma_start3A = tpu.memref_slice %arg2[%add3A_18] : memref<163840xi32, #tpu.memory_space<hbm>> -> memref<128xi32, #tpu.memory_space<hbm>>
        %dma_start3A_24 = tpu.memref_slice %arg2[%add3A_18] : memref<163840xi32, #tpu.memory_space<hbm>> -> memref<128xi32, #tpu.memory_space<hbm>>
        tpu.enqueue_dma source(%dma_start3A_24 : memref<128xi32, #tpu.memory_space<hbm>>) target(%arg5 : memref<128xi32, #tpu.memory_space<vmem>>) target_semaphore(%run_scoped3A : memref<!tpu.dma_semaphore, #tpu.memory_space<semaphore_mem>>)
        %dma_wait3A = tpu.memref_slice %arg2[%add3A_18] : memref<163840xi32, #tpu.memory_space<hbm>> -> memref<128xi32, #tpu.memory_space<hbm>>
        %dma_wait3A_25 = tpu.memref_slice %arg2[%add3A_18] : memref<163840xi32, #tpu.memory_space<hbm>> -> memref<128xi32, #tpu.memory_space<hbm>>
        tpu.wait_dma2 semaphore(%run_scoped3A : memref<!tpu.dma_semaphore, #tpu.memory_space<semaphore_mem>>) src(%dma_wait3A_25 : memref<128xi32, #tpu.memory_space<hbm>>) dst(%arg5 : memref<128xi32, #tpu.memory_space<vmem>>)
        tpu.yield
      }) : () -> ()
      %scan3A_19 = arith.constant 0 : i32
      %scan3A_20 = arith.constant 8 : i32
      %scan3A_21 = arith.addi %scan3A_19, %scan3A_20 : i32
      %scan3A_22 = arith.constant 1 : i32
      scf.for %scan3A_24 = %scan3A_19 to %scan3A_21 step %scan3A_22  : i32 {
        %mul3A_25 = arith.constant 16 : i32
        %mul3A_26 = arith.muli %scan3A_24, %mul3A_25 : i32
        %get3A = arith.index_cast %mul3A_26 : i32 to index
        %get3A_27 = tpu.vector_load %arg5[%get3A] {strides = array<i32>} : memref<128xi32, #tpu.memory_space<vmem>>, vector<16xi32>,
        tpu.vector_store_idx %arg4[%get3A_27], %broadcast_in_dim3A_8 {add = true} : memref<10240xf32, #tpu.memory_space<vmem>>[vector<16xi32>], vector<16xf32>,
      }
      %scan3A_23 = arith.constant 8 : i32
    }
    %scan3A_14 = arith.constant 40 : i32
    "tpu.region"() ({
      %run_scoped3A = tpu.sem_alloc : memref<!tpu.dma_semaphore, #tpu.memory_space<semaphore_mem>>
      %dma_start3A = arith.constant 0 : i32
      %dma_start3A_15 = tpu.memref_slice %arg3[%add3A, %dma_start3A] : memref<32x10240xf32, #tpu.memory_space<hbm>> -> memref<1x10240xf32, #tpu.memory_space<hbm>>
      %dma_start3A_16 = tpu.memref_squeeze %dma_start3A_15 : memref<1x10240xf32, #tpu.memory_space<hbm>> -> memref<10240xf32, #tpu.memory_space<hbm>>
      %dma_start3A_17 = arith.constant 0 : i32
      %dma_start3A_18 = tpu.memref_slice %arg3[%add3A, %dma_start3A_17] : memref<32x10240xf32, #tpu.memory_space<hbm>> -> memref<1x10240xf32, #tpu.memory_space<hbm>>
      %dma_start3A_19 = tpu.memref_squeeze %dma_start3A_18 : memref<1x10240xf32, #tpu.memory_space<hbm>> -> memref<10240xf32, #tpu.memory_space<hbm>>
      tpu.enqueue_dma source(%arg4 : memref<10240xf32, #tpu.memory_space<vmem>>) target(%dma_start3A_19 : memref<10240xf32, #tpu.memory_space<hbm>>) target_semaphore(%run_scoped3A : memref<!tpu.dma_semaphore, #tpu.memory_space<semaphore_mem>>)
      %dma_wait3A = arith.constant 0 : i32
      %dma_wait3A_20 = tpu.memref_slice %arg3[%add3A, %dma_wait3A] : memref<32x10240xf32, #tpu.memory_space<hbm>> -> memref<1x10240xf32, #tpu.memory_space<hbm>>
      %dma_wait3A_21 = tpu.memref_squeeze %dma_wait3A_20 : memref<1x10240xf32, #tpu.memory_space<hbm>> -> memref<10240xf32, #tpu.memory_space<hbm>>
      %dma_wait3A_22 = arith.constant 0 : i32
      %dma_wait3A_23 = tpu.memref_slice %arg3[%add3A, %dma_wait3A_22] : memref<32x10240xf32, #tpu.memory_space<hbm>> -> memref<1x10240xf32, #tpu.memory_space<hbm>>
      %dma_wait3A_24 = tpu.memref_squeeze %dma_wait3A_23 : memref<1x10240xf32, #tpu.memory_space<hbm>> -> memref<10240xf32, #tpu.memory_space<hbm>>
      tpu.wait_dma2 semaphore(%run_scoped3A : memref<!tpu.dma_semaphore, #tpu.memory_space<semaphore_mem>>) src(%arg4 : memref<10240xf32, #tpu.memory_space<vmem>>) dst(%dma_wait3A_24 : memref<10240xf32, #tpu.memory_space<hbm>>)
      tpu.yield
    }) : () -> ()
    return
  }
}

#map = affine_map<(d0, d1) -> (0, 0)>
#map1 = affine_map<(d0, d1) -> (0)>
#map2 = affine_map<(d0, d1) -> (0, 0, 0)>
module attributes {stable_mosaic.version = 14 : i64} {
  func.func @_sc_rowscat(%arg0: i32, %arg1: i32, %arg2: memref<10240x128xf32, #tpu.memory_space<hbm>>, %arg3: memref<163840xi32, #tpu.memory_space<hbm>>, %arg4: memref<163840xi32, #tpu.memory_space<hbm>>, %arg5: memref<10240x128xf32, #tpu.memory_space<hbm>>, %arg6: memref<2x10240x128xf32, #tpu.memory_space<hbm>>, %arg7: memref<128xi32, #tpu.memory_space<vmem>>, %arg8: memref<128xi32, #tpu.memory_space<vmem>>, %arg9: memref<128xi32, #tpu.memory_space<vmem>>, %arg10: memref<128xi32, #tpu.memory_space<vmem>>, %arg11: memref<128xi32, #tpu.memory_space<vmem>>, %arg12: memref<128xi32, #tpu.memory_space<vmem>>, %arg13: memref<128x128xf32, #tpu.memory_space<vmem>>, %arg14: memref<128x128xf32, #tpu.memory_space<vmem>>, %arg15: memref<128x128xf32, #tpu.memory_space<vmem>>, %arg16: memref<10112x128xf32, #tpu.memory_space<vmem_shared>>, %arg17: memref<!tpu.dma_semaphore, #tpu.memory_space<semaphore_mem>>, %arg18: memref<!tpu.dma_semaphore, #tpu.memory_space<semaphore_mem>>, %arg19: memref<!tpu.dma_semaphore, #tpu.memory_space<semaphore_mem>>) attributes {dimension_semantics = [#tpu.dimension_semantics<core_parallel>, #tpu.dimension_semantics<subcore_parallel>], iteration_bounds = array<i64: 2, 16>, scalar_prefetch = 0 : i64, scratch_operands = 13 : i64, tpu.core_type = #tpu.core_type<sc_vector_subcore>, window_params = [{transform_indices = #map}, {transform_indices = #map1}, {transform_indices = #map1}, {transform_indices = #map}, {transform_indices = #map2}]} {
    %mul3A = arith.constant 2 : i32
    %mul3A_0 = arith.muli %arg1, %mul3A : i32
    %add3A = arith.addi %mul3A_0, %arg0 : i32
    %mul3A_1 = arith.constant 632 : i32
    %mul3A_2 = arith.muli %arg1, %mul3A_1 : i32
    "tpu.region"() ({
      %run_scoped3A = tpu.sem_alloc : memref<!tpu.dma_semaphore, #tpu.memory_space<semaphore_mem>>
      %dma_start3A_22 = arith.constant 0 : i32
      %dma_start3A_23 = tpu.memref_slice %arg16[%mul3A_2, %dma_start3A_22] : memref<10112x128xf32, #tpu.memory_space<vmem_shared>> -> memref<632x128xf32, #tpu.memory_space<vmem_shared>>
      %dma_start3A_24 = arith.constant 0 : i32
      %dma_start3A_25 = tpu.memref_slice %arg5[%mul3A_2, %dma_start3A_24] : memref<10240x128xf32, #tpu.memory_space<hbm>> -> memref<632x128xf32, #tpu.memory_space<hbm>>
      tpu.enqueue_dma source(%dma_start3A_25 : memref<632x128xf32, #tpu.memory_space<hbm>>) target(%dma_start3A_23 : memref<632x128xf32, #tpu.memory_space<vmem_shared>>) target_semaphore(%run_scoped3A : memref<!tpu.dma_semaphore, #tpu.memory_space<semaphore_mem>>)
      %dma_wait3A_26 = arith.constant 0 : i32
      %dma_wait3A_27 = tpu.memref_slice %arg16[%mul3A_2, %dma_wait3A_26] : memref<10112x128xf32, #tpu.memory_space<vmem_shared>> -> memref<632x128xf32, #tpu.memory_space<vmem_shared>>
      %dma_wait3A_28 = arith.constant 0 : i32
      %dma_wait3A_29 = tpu.memref_slice %arg5[%mul3A_2, %dma_wait3A_28] : memref<10240x128xf32, #tpu.memory_space<hbm>> -> memref<632x128xf32, #tpu.memory_space<hbm>>
      tpu.wait_dma2 semaphore(%run_scoped3A : memref<!tpu.dma_semaphore, #tpu.memory_space<semaphore_mem>>) src(%dma_wait3A_29 : memref<632x128xf32, #tpu.memory_space<hbm>>) dst(%dma_wait3A_27 : memref<632x128xf32, #tpu.memory_space<vmem_shared>>)
      tpu.yield
    }) : () -> ()
    %barrier3A = arith.constant 0 : index
    tpu.barrier barrier_id(%barrier3A)
    %mul3A_3 = arith.constant 5120 : i32
    %mul3A_4 = arith.muli %add3A, %mul3A_3 : i32
    %add3A_5 = arith.constant 0 : i32
    %add3A_6 = arith.addi %mul3A_4, %add3A_5 : i32
    "tpu.region"() ({
      %run_scoped3A = tpu.sem_alloc : memref<!tpu.dma_semaphore, #tpu.memory_space<semaphore_mem>>
      %dma_start3A_22 = tpu.memref_slice %arg3[%add3A_6] : memref<163840xi32, #tpu.memory_space<hbm>> -> memref<128xi32, #tpu.memory_space<hbm>>
      %dma_start3A_23 = tpu.memref_slice %arg3[%add3A_6] : memref<163840xi32, #tpu.memory_space<hbm>> -> memref<128xi32, #tpu.memory_space<hbm>>
      tpu.enqueue_dma source(%dma_start3A_23 : memref<128xi32, #tpu.memory_space<hbm>>) target(%arg7 : memref<128xi32, #tpu.memory_space<vmem>>) target_semaphore(%run_scoped3A : memref<!tpu.dma_semaphore, #tpu.memory_space<semaphore_mem>>)
      %dma_wait3A_24 = tpu.memref_slice %arg3[%add3A_6] : memref<163840xi32, #tpu.memory_space<hbm>> -> memref<128xi32, #tpu.memory_space<hbm>>
      %dma_wait3A_25 = tpu.memref_slice %arg3[%add3A_6] : memref<163840xi32, #tpu.memory_space<hbm>> -> memref<128xi32, #tpu.memory_space<hbm>>
      tpu.wait_dma2 semaphore(%run_scoped3A : memref<!tpu.dma_semaphore, #tpu.memory_space<semaphore_mem>>) src(%dma_wait3A_25 : memref<128xi32, #tpu.memory_space<hbm>>) dst(%arg7 : memref<128xi32, #tpu.memory_space<vmem>>)
      tpu.yield
    }) : () -> ()
    "tpu.region"() ({
      %run_scoped3A = tpu.sem_alloc : memref<!tpu.dma_semaphore, #tpu.memory_space<semaphore_mem>>
      %dma_start3A_22 = tpu.memref_slice %arg4[%add3A_6] : memref<163840xi32, #tpu.memory_space<hbm>> -> memref<128xi32, #tpu.memory_space<hbm>>
      %dma_start3A_23 = tpu.memref_slice %arg4[%add3A_6] : memref<163840xi32, #tpu.memory_space<hbm>> -> memref<128xi32, #tpu.memory_space<hbm>>
      tpu.enqueue_dma source(%dma_start3A_23 : memref<128xi32, #tpu.memory_space<hbm>>) target(%arg10 : memref<128xi32, #tpu.memory_space<vmem>>) target_semaphore(%run_scoped3A : memref<!tpu.dma_semaphore, #tpu.memory_space<semaphore_mem>>)
      %dma_wait3A_24 = tpu.memref_slice %arg4[%add3A_6] : memref<163840xi32, #tpu.memory_space<hbm>> -> memref<128xi32, #tpu.memory_space<hbm>>
      %dma_wait3A_25 = tpu.memref_slice %arg4[%add3A_6] : memref<163840xi32, #tpu.memory_space<hbm>> -> memref<128xi32, #tpu.memory_space<hbm>>
      tpu.wait_dma2 semaphore(%run_scoped3A : memref<!tpu.dma_semaphore, #tpu.memory_space<semaphore_mem>>) src(%dma_wait3A_25 : memref<128xi32, #tpu.memory_space<hbm>>) dst(%arg10 : memref<128xi32, #tpu.memory_space<vmem>>)
      tpu.yield
    }) : () -> ()
    %dma_start3A = arith.constant 0 : i32
    %dma_start3A_7 = arith.constant 0 : i32
    %dma_start3A_8 = tpu.memref_slice %arg2[%dma_start3A, %dma_start3A_7] : memref<10240x128xf32, #tpu.memory_space<hbm>> -> memref<10240x128xf32, #tpu.memory_space<hbm>>
    tpu.enqueue_indirect_dma source(%dma_start3A_8 : memref<10240x128xf32, #tpu.memory_space<hbm>>) target(%arg13 : memref<128x128xf32, #tpu.memory_space<vmem>>) offsets(%arg7 : memref<128xi32, #tpu.memory_space<vmem>>) semaphore(%arg17 : memref<!tpu.dma_semaphore, #tpu.memory_space<semaphore_mem>>)
    %add3A_9 = arith.constant 128 : i32
    %add3A_10 = arith.addi %mul3A_4, %add3A_9 : i32
    "tpu.region"() ({
      %run_scoped3A = tpu.sem_alloc : memref<!tpu.dma_semaphore, #tpu.memory_space<semaphore_mem>>
      %dma_start3A_22 = tpu.memref_slice %arg3[%add3A_10] : memref<163840xi32, #tpu.memory_space<hbm>> -> memref<128xi32, #tpu.memory_space<hbm>>
      %dma_start3A_23 = tpu.memref_slice %arg3[%add3A_10] : memref<163840xi32, #tpu.memory_space<hbm>> -> memref<128xi32, #tpu.memory_space<hbm>>
      tpu.enqueue_dma source(%dma_start3A_23 : memref<128xi32, #tpu.memory_space<hbm>>) target(%arg8 : memref<128xi32, #tpu.memory_space<vmem>>) target_semaphore(%run_scoped3A : memref<!tpu.dma_semaphore, #tpu.memory_space<semaphore_mem>>)
      %dma_wait3A_24 = tpu.memref_slice %arg3[%add3A_10] : memref<163840xi32, #tpu.memory_space<hbm>> -> memref<128xi32, #tpu.memory_space<hbm>>
      %dma_wait3A_25 = tpu.memref_slice %arg3[%add3A_10] : memref<163840xi32, #tpu.memory_space<hbm>> -> memref<128xi32, #tpu.memory_space<hbm>>
      tpu.wait_dma2 semaphore(%run_scoped3A : memref<!tpu.dma_semaphore, #tpu.memory_space<semaphore_mem>>) src(%dma_wait3A_25 : memref<128xi32, #tpu.memory_space<hbm>>) dst(%arg8 : memref<128xi32, #tpu.memory_space<vmem>>)
      tpu.yield
    }) : () -> ()
    "tpu.region"() ({
      %run_scoped3A = tpu.sem_alloc : memref<!tpu.dma_semaphore, #tpu.memory_space<semaphore_mem>>
      %dma_start3A_22 = tpu.memref_slice %arg4[%add3A_10] : memref<163840xi32, #tpu.memory_space<hbm>> -> memref<128xi32, #tpu.memory_space<hbm>>
      %dma_start3A_23 = tpu.memref_slice %arg4[%add3A_10] : memref<163840xi32, #tpu.memory_space<hbm>> -> memref<128xi32, #tpu.memory_space<hbm>>
      tpu.enqueue_dma source(%dma_start3A_23 : memref<128xi32, #tpu.memory_space<hbm>>) target(%arg11 : memref<128xi32, #tpu.memory_space<vmem>>) target_semaphore(%run_scoped3A : memref<!tpu.dma_semaphore, #tpu.memory_space<semaphore_mem>>)
      %dma_wait3A_24 = tpu.memref_slice %arg4[%add3A_10] : memref<163840xi32, #tpu.memory_space<hbm>> -> memref<128xi32, #tpu.memory_space<hbm>>
      %dma_wait3A_25 = tpu.memref_slice %arg4[%add3A_10] : memref<163840xi32, #tpu.memory_space<hbm>> -> memref<128xi32, #tpu.memory_space<hbm>>
      tpu.wait_dma2 semaphore(%run_scoped3A : memref<!tpu.dma_semaphore, #tpu.memory_space<semaphore_mem>>) src(%dma_wait3A_25 : memref<128xi32, #tpu.memory_space<hbm>>) dst(%arg11 : memref<128xi32, #tpu.memory_space<vmem>>)
      tpu.yield
    }) : () -> ()
    %dma_start3A_11 = arith.constant 0 : i32
    %dma_start3A_12 = arith.constant 0 : i32
    %dma_start3A_13 = tpu.memref_slice %arg2[%dma_start3A_11, %dma_start3A_12] : memref<10240x128xf32, #tpu.memory_space<hbm>> -> memref<10240x128xf32, #tpu.memory_space<hbm>>
    tpu.enqueue_indirect_dma source(%dma_start3A_13 : memref<10240x128xf32, #tpu.memory_space<hbm>>) target(%arg14 : memref<128x128xf32, #tpu.memory_space<vmem>>) offsets(%arg8 : memref<128xi32, #tpu.memory_space<vmem>>) semaphore(%arg18 : memref<!tpu.dma_semaphore, #tpu.memory_space<semaphore_mem>>)
    %scan3A = arith.constant 0 : i32
    %scan3A_14 = arith.constant 0 : i32
    %scan3A_15 = arith.constant 13 : i32
    %scan3A_16 = arith.addi %scan3A_14, %scan3A_15 : i32
    %scan3A_17 = arith.constant 1 : i32
    scf.for %scan3A_22 = %scan3A_14 to %scan3A_16 step %scan3A_17  : i32 {
      %mul3A_23 = arith.constant 3 : i32
      %mul3A_24 = arith.muli %scan3A_22, %mul3A_23 : i32
      %add3A_25 = arith.constant 0 : i32
      %add3A_26 = arith.addi %mul3A_24, %add3A_25 : i32
      %add3A_27 = arith.constant 2 : i32
      %add3A_28 = arith.addi %add3A_26, %add3A_27 : i32
      %lt3A = arith.constant 40 : i32
      %lt3A_29 = arith.cmpi slt, %add3A_28, %lt3A : i32
      %convert_element_type3A = arith.extui %lt3A_29 : i1 to i32
      %cond3A = arith.constant 0 : i32
      %cond3A_30 = arith.cmpi ne, %convert_element_type3A, %cond3A : i32
      scf.if %cond3A_30 {
        %add3A_62 = arith.constant 2 : i32
        %add3A_63 = arith.addi %add3A_26, %add3A_62 : i32
        %mul3A_64 = arith.constant 128 : i32
        %mul3A_65 = arith.muli %add3A_63, %mul3A_64 : i32
        %add3A_66 = arith.addi %mul3A_4, %mul3A_65 : i32
        "tpu.region"() ({
          %run_scoped3A = tpu.sem_alloc : memref<!tpu.dma_semaphore, #tpu.memory_space<semaphore_mem>>
          %dma_start3A_70 = tpu.memref_slice %arg3[%add3A_66] : memref<163840xi32, #tpu.memory_space<hbm>> -> memref<128xi32, #tpu.memory_space<hbm>>
          %dma_start3A_71 = tpu.memref_slice %arg3[%add3A_66] : memref<163840xi32, #tpu.memory_space<hbm>> -> memref<128xi32, #tpu.memory_space<hbm>>
          tpu.enqueue_dma source(%dma_start3A_71 : memref<128xi32, #tpu.memory_space<hbm>>) target(%arg9 : memref<128xi32, #tpu.memory_space<vmem>>) target_semaphore(%run_scoped3A : memref<!tpu.dma_semaphore, #tpu.memory_space<semaphore_mem>>)
          %dma_wait3A_72 = tpu.memref_slice %arg3[%add3A_66] : memref<163840xi32, #tpu.memory_space<hbm>> -> memref<128xi32, #tpu.memory_space<hbm>>
          %dma_wait3A_73 = tpu.memref_slice %arg3[%add3A_66] : memref<163840xi32, #tpu.memory_space<hbm>> -> memref<128xi32, #tpu.memory_space<hbm>>
          tpu.wait_dma2 semaphore(%run_scoped3A : memref<!tpu.dma_semaphore, #tpu.memory_space<semaphore_mem>>) src(%dma_wait3A_73 : memref<128xi32, #tpu.memory_space<hbm>>) dst(%arg9 : memref<128xi32, #tpu.memory_space<vmem>>)
          tpu.yield
        }) : () -> ()
        "tpu.region"() ({
          %run_scoped3A = tpu.sem_alloc : memref<!tpu.dma_semaphore, #tpu.memory_space<semaphore_mem>>
          %dma_start3A_70 = tpu.memref_slice %arg4[%add3A_66] : memref<163840xi32, #tpu.memory_space<hbm>> -> memref<128xi32, #tpu.memory_space<hbm>>
          %dma_start3A_71 = tpu.memref_slice %arg4[%add3A_66] : memref<163840xi32, #tpu.memory_space<hbm>> -> memref<128xi32, #tpu.memory_space<hbm>>
          tpu.enqueue_dma source(%dma_start3A_71 : memref<128xi32, #tpu.memory_space<hbm>>) target(%arg12 : memref<128xi32, #tpu.memory_space<vmem>>) target_semaphore(%run_scoped3A : memref<!tpu.dma_semaphore, #tpu.memory_space<semaphore_mem>>)
          %dma_wait3A_72 = tpu.memref_slice %arg4[%add3A_66] : memref<163840xi32, #tpu.memory_space<hbm>> -> memref<128xi32, #tpu.memory_space<hbm>>
          %dma_wait3A_73 = tpu.memref_slice %arg4[%add3A_66] : memref<163840xi32, #tpu.memory_space<hbm>> -> memref<128xi32, #tpu.memory_space<hbm>>
          tpu.wait_dma2 semaphore(%run_scoped3A : memref<!tpu.dma_semaphore, #tpu.memory_space<semaphore_mem>>) src(%dma_wait3A_73 : memref<128xi32, #tpu.memory_space<hbm>>) dst(%arg12 : memref<128xi32, #tpu.memory_space<vmem>>)
          tpu.yield
        }) : () -> ()
        %dma_start3A_67 = arith.constant 0 : i32
        %dma_start3A_68 = arith.constant 0 : i32
        %dma_start3A_69 = tpu.memref_slice %arg2[%dma_start3A_67, %dma_start3A_68] : memref<10240x128xf32, #tpu.memory_space<hbm>> -> memref<10240x128xf32, #tpu.memory_space<hbm>>
        tpu.enqueue_indirect_dma source(%dma_start3A_69 : memref<10240x128xf32, #tpu.memory_space<hbm>>) target(%arg15 : memref<128x128xf32, #tpu.memory_space<vmem>>) offsets(%arg9 : memref<128xi32, #tpu.memory_space<vmem>>) semaphore(%arg19 : memref<!tpu.dma_semaphore, #tpu.memory_space<semaphore_mem>>)
      } else {
      }
      %dma_wait3A_31 = arith.constant 0 : i32
      %dma_wait3A_32 = arith.constant 0 : i32
      %dma_wait3A_33 = tpu.memref_slice %arg2[%dma_wait3A_31, %dma_wait3A_32] : memref<10240x128xf32, #tpu.memory_space<hbm>> -> memref<10240x128xf32, #tpu.memory_space<hbm>>
      tpu.wait_indirect_dma semaphore(%arg17 : memref<!tpu.dma_semaphore, #tpu.memory_space<semaphore_mem>>) src(%dma_wait3A_33 : memref<10240x128xf32, #tpu.memory_space<hbm>>) dst(%arg13 : memref<128x128xf32, #tpu.memory_space<vmem>>)
      "tpu.region"() ({
        %run_scoped3A = tpu.sem_alloc : memref<!tpu.dma_semaphore, #tpu.memory_space<semaphore_mem>>
        %dma_start3A_62 = arith.constant 0 : i32
        %dma_start3A_63 = arith.constant 0 : i32
        %dma_start3A_64 = tpu.memref_slice %arg16[%dma_start3A_62, %dma_start3A_63] : memref<10112x128xf32, #tpu.memory_space<vmem_shared>> -> memref<10112x128xf32, #tpu.memory_space<vmem_shared>>
        tpu.enqueue_indirect_dma source(%arg13 : memref<128x128xf32, #tpu.memory_space<vmem>>) target(%dma_start3A_64 : memref<10112x128xf32, #tpu.memory_space<vmem_shared>>) offsets(%arg10 : memref<128xi32, #tpu.memory_space<vmem>>) semaphore(%run_scoped3A : memref<!tpu.dma_semaphore, #tpu.memory_space<semaphore_mem>>) {add = true}
        %dma_wait3A_65 = arith.constant 0 : i32
        %dma_wait3A_66 = arith.constant 0 : i32
        %dma_wait3A_67 = tpu.memref_slice %arg16[%dma_wait3A_65, %dma_wait3A_66] : memref<10112x128xf32, #tpu.memory_space<vmem_shared>> -> memref<10112x128xf32, #tpu.memory_space<vmem_shared>>
        tpu.wait_indirect_dma semaphore(%run_scoped3A : memref<!tpu.dma_semaphore, #tpu.memory_space<semaphore_mem>>) src(%arg13 : memref<128x128xf32, #tpu.memory_space<vmem>>) dst(%dma_wait3A_67 : memref<10112x128xf32, #tpu.memory_space<vmem_shared>>)
        tpu.yield
      }) : () -> ()
      %mul3A_34 = arith.constant 3 : i32
      %mul3A_35 = arith.muli %scan3A_22, %mul3A_34 : i32
      %add3A_36 = arith.constant 1 : i32
      %add3A_37 = arith.addi %mul3A_35, %add3A_36 : i32
      %add3A_38 = arith.constant 2 : i32
      %add3A_39 = arith.addi %add3A_37, %add3A_38 : i32
      %lt3A_40 = arith.constant 40 : i32
      %lt3A_41 = arith.cmpi slt, %add3A_39, %lt3A_40 : i32
      %convert_element_type3A_42 = arith.extui %lt3A_41 : i1 to i32
      %cond3A_43 = arith.constant 0 : i32
      %cond3A_44 = arith.cmpi ne, %convert_element_type3A_42, %cond3A_43 : i32
      scf.if %cond3A_44 {
        %add3A_62 = arith.constant 2 : i32
        %add3A_63 = arith.addi %add3A_37, %add3A_62 : i32
        %mul3A_64 = arith.constant 128 : i32
        %mul3A_65 = arith.muli %add3A_63, %mul3A_64 : i32
        %add3A_66 = arith.addi %mul3A_4, %mul3A_65 : i32
        "tpu.region"() ({
          %run_scoped3A = tpu.sem_alloc : memref<!tpu.dma_semaphore, #tpu.memory_space<semaphore_mem>>
          %dma_start3A_70 = tpu.memref_slice %arg3[%add3A_66] : memref<163840xi32, #tpu.memory_space<hbm>> -> memref<128xi32, #tpu.memory_space<hbm>>
          %dma_start3A_71 = tpu.memref_slice %arg3[%add3A_66] : memref<163840xi32, #tpu.memory_space<hbm>> -> memref<128xi32, #tpu.memory_space<hbm>>
          tpu.enqueue_dma source(%dma_start3A_71 : memref<128xi32, #tpu.memory_space<hbm>>) target(%arg7 : memref<128xi32, #tpu.memory_space<vmem>>) target_semaphore(%run_scoped3A : memref<!tpu.dma_semaphore, #tpu.memory_space<semaphore_mem>>)
          %dma_wait3A_72 = tpu.memref_slice %arg3[%add3A_66] : memref<163840xi32, #tpu.memory_space<hbm>> -> memref<128xi32, #tpu.memory_space<hbm>>
          %dma_wait3A_73 = tpu.memref_slice %arg3[%add3A_66] : memref<163840xi32, #tpu.memory_space<hbm>> -> memref<128xi32, #tpu.memory_space<hbm>>
          tpu.wait_dma2 semaphore(%run_scoped3A : memref<!tpu.dma_semaphore, #tpu.memory_space<semaphore_mem>>) src(%dma_wait3A_73 : memref<128xi32, #tpu.memory_space<hbm>>) dst(%arg7 : memref<128xi32, #tpu.memory_space<vmem>>)
          tpu.yield
        }) : () -> ()
        "tpu.region"() ({
          %run_scoped3A = tpu.sem_alloc : memref<!tpu.dma_semaphore, #tpu.memory_space<semaphore_mem>>
          %dma_start3A_70 = tpu.memref_slice %arg4[%add3A_66] : memref<163840xi32, #tpu.memory_space<hbm>> -> memref<128xi32, #tpu.memory_space<hbm>>
          %dma_start3A_71 = tpu.memref_slice %arg4[%add3A_66] : memref<163840xi32, #tpu.memory_space<hbm>> -> memref<128xi32, #tpu.memory_space<hbm>>
          tpu.enqueue_dma source(%dma_start3A_71 : memref<128xi32, #tpu.memory_space<hbm>>) target(%arg10 : memref<128xi32, #tpu.memory_space<vmem>>) target_semaphore(%run_scoped3A : memref<!tpu.dma_semaphore, #tpu.memory_space<semaphore_mem>>)
          %dma_wait3A_72 = tpu.memref_slice %arg4[%add3A_66] : memref<163840xi32, #tpu.memory_space<hbm>> -> memref<128xi32, #tpu.memory_space<hbm>>
          %dma_wait3A_73 = tpu.memref_slice %arg4[%add3A_66] : memref<163840xi32, #tpu.memory_space<hbm>> -> memref<128xi32, #tpu.memory_space<hbm>>
          tpu.wait_dma2 semaphore(%run_scoped3A : memref<!tpu.dma_semaphore, #tpu.memory_space<semaphore_mem>>) src(%dma_wait3A_73 : memref<128xi32, #tpu.memory_space<hbm>>) dst(%arg10 : memref<128xi32, #tpu.memory_space<vmem>>)
          tpu.yield
        }) : () -> ()
        %dma_start3A_67 = arith.constant 0 : i32
        %dma_start3A_68 = arith.constant 0 : i32
        %dma_start3A_69 = tpu.memref_slice %arg2[%dma_start3A_67, %dma_start3A_68] : memref<10240x128xf32, #tpu.memory_space<hbm>> -> memref<10240x128xf32, #tpu.memory_space<hbm>>
        tpu.enqueue_indirect_dma source(%dma_start3A_69 : memref<10240x128xf32, #tpu.memory_space<hbm>>) target(%arg13 : memref<128x128xf32, #tpu.memory_space<vmem>>) offsets(%arg7 : memref<128xi32, #tpu.memory_space<vmem>>) semaphore(%arg17 : memref<!tpu.dma_semaphore, #tpu.memory_space<semaphore_mem>>)
      } else {
      }
      %dma_wait3A_45 = arith.constant 0 : i32
      %dma_wait3A_46 = arith.constant 0 : i32
      %dma_wait3A_47 = tpu.memref_slice %arg2[%dma_wait3A_45, %dma_wait3A_46] : memref<10240x128xf32, #tpu.memory_space<hbm>> -> memref<10240x128xf32, #tpu.memory_space<hbm>>
      tpu.wait_indirect_dma semaphore(%arg18 : memref<!tpu.dma_semaphore, #tpu.memory_space<semaphore_mem>>) src(%dma_wait3A_47 : memref<10240x128xf32, #tpu.memory_space<hbm>>) dst(%arg14 : memref<128x128xf32, #tpu.memory_space<vmem>>)
      "tpu.region"() ({
        %run_scoped3A = tpu.sem_alloc : memref<!tpu.dma_semaphore, #tpu.memory_space<semaphore_mem>>
        %dma_start3A_62 = arith.constant 0 : i32
        %dma_start3A_63 = arith.constant 0 : i32
        %dma_start3A_64 = tpu.memref_slice %arg16[%dma_start3A_62, %dma_start3A_63] : memref<10112x128xf32, #tpu.memory_space<vmem_shared>> -> memref<10112x128xf32, #tpu.memory_space<vmem_shared>>
        tpu.enqueue_indirect_dma source(%arg14 : memref<128x128xf32, #tpu.memory_space<vmem>>) target(%dma_start3A_64 : memref<10112x128xf32, #tpu.memory_space<vmem_shared>>) offsets(%arg11 : memref<128xi32, #tpu.memory_space<vmem>>) semaphore(%run_scoped3A : memref<!tpu.dma_semaphore, #tpu.memory_space<semaphore_mem>>) {add = true}
        %dma_wait3A_65 = arith.constant 0 : i32
        %dma_wait3A_66 = arith.constant 0 : i32
        %dma_wait3A_67 = tpu.memref_slice %arg16[%dma_wait3A_65, %dma_wait3A_66] : memref<10112x128xf32, #tpu.memory_space<vmem_shared>> -> memref<10112x128xf32, #tpu.memory_space<vmem_shared>>
        tpu.wait_indirect_dma semaphore(%run_scoped3A : memref<!tpu.dma_semaphore, #tpu.memory_space<semaphore_mem>>) src(%arg14 : memref<128x128xf32, #tpu.memory_space<vmem>>) dst(%dma_wait3A_67 : memref<10112x128xf32, #tpu.memory_space<vmem_shared>>)
        tpu.yield
      }) : () -> ()
      %mul3A_48 = arith.constant 3 : i32
      %mul3A_49 = arith.muli %scan3A_22, %mul3A_48 : i32
      %add3A_50 = arith.constant 2 : i32
      %add3A_51 = arith.addi %mul3A_49, %add3A_50 : i32
      %add3A_52 = arith.constant 2 : i32
      %add3A_53 = arith.addi %add3A_51, %add3A_52 : i32
      %lt3A_54 = arith.constant 40 : i32
      %lt3A_55 = arith.cmpi slt, %add3A_53, %lt3A_54 : i32
      %convert_element_type3A_56 = arith.extui %lt3A_55 : i1 to i32
      %cond3A_57 = arith.constant 0 : i32
      %cond3A_58 = arith.cmpi ne, %convert_element_type3A_56, %cond3A_57 : i32
      scf.if %cond3A_58 {
        %add3A_62 = arith.constant 2 : i32
        %add3A_63 = arith.addi %add3A_51, %add3A_62 : i32
        %mul3A_64 = arith.constant 128 : i32
        %mul3A_65 = arith.muli %add3A_63, %mul3A_64 : i32
        %add3A_66 = arith.addi %mul3A_4, %mul3A_65 : i32
        "tpu.region"() ({
          %run_scoped3A = tpu.sem_alloc : memref<!tpu.dma_semaphore, #tpu.memory_space<semaphore_mem>>
          %dma_start3A_70 = tpu.memref_slice %arg3[%add3A_66] : memref<163840xi32, #tpu.memory_space<hbm>> -> memref<128xi32, #tpu.memory_space<hbm>>
          %dma_start3A_71 = tpu.memref_slice %arg3[%add3A_66] : memref<163840xi32, #tpu.memory_space<hbm>> -> memref<128xi32, #tpu.memory_space<hbm>>
          tpu.enqueue_dma source(%dma_start3A_71 : memref<128xi32, #tpu.memory_space<hbm>>) target(%arg8 : memref<128xi32, #tpu.memory_space<vmem>>) target_semaphore(%run_scoped3A : memref<!tpu.dma_semaphore, #tpu.memory_space<semaphore_mem>>)
          %dma_wait3A_72 = tpu.memref_slice %arg3[%add3A_66] : memref<163840xi32, #tpu.memory_space<hbm>> -> memref<128xi32, #tpu.memory_space<hbm>>
          %dma_wait3A_73 = tpu.memref_slice %arg3[%add3A_66] : memref<163840xi32, #tpu.memory_space<hbm>> -> memref<128xi32, #tpu.memory_space<hbm>>
          tpu.wait_dma2 semaphore(%run_scoped3A : memref<!tpu.dma_semaphore, #tpu.memory_space<semaphore_mem>>) src(%dma_wait3A_73 : memref<128xi32, #tpu.memory_space<hbm>>) dst(%arg8 : memref<128xi32, #tpu.memory_space<vmem>>)
          tpu.yield
        }) : () -> ()
        "tpu.region"() ({
          %run_scoped3A = tpu.sem_alloc : memref<!tpu.dma_semaphore, #tpu.memory_space<semaphore_mem>>
          %dma_start3A_70 = tpu.memref_slice %arg4[%add3A_66] : memref<163840xi32, #tpu.memory_space<hbm>> -> memref<128xi32, #tpu.memory_space<hbm>>
          %dma_start3A_71 = tpu.memref_slice %arg4[%add3A_66] : memref<163840xi32, #tpu.memory_space<hbm>> -> memref<128xi32, #tpu.memory_space<hbm>>
          tpu.enqueue_dma source(%dma_start3A_71 : memref<128xi32, #tpu.memory_space<hbm>>) target(%arg11 : memref<128xi32, #tpu.memory_space<vmem>>) target_semaphore(%run_scoped3A : memref<!tpu.dma_semaphore, #tpu.memory_space<semaphore_mem>>)
          %dma_wait3A_72 = tpu.memref_slice %arg4[%add3A_66] : memref<163840xi32, #tpu.memory_space<hbm>> -> memref<128xi32, #tpu.memory_space<hbm>>
          %dma_wait3A_73 = tpu.memref_slice %arg4[%add3A_66] : memref<163840xi32, #tpu.memory_space<hbm>> -> memref<128xi32, #tpu.memory_space<hbm>>
          tpu.wait_dma2 semaphore(%run_scoped3A : memref<!tpu.dma_semaphore, #tpu.memory_space<semaphore_mem>>) src(%dma_wait3A_73 : memref<128xi32, #tpu.memory_space<hbm>>) dst(%arg11 : memref<128xi32, #tpu.memory_space<vmem>>)
          tpu.yield
        }) : () -> ()
        %dma_start3A_67 = arith.constant 0 : i32
        %dma_start3A_68 = arith.constant 0 : i32
        %dma_start3A_69 = tpu.memref_slice %arg2[%dma_start3A_67, %dma_start3A_68] : memref<10240x128xf32, #tpu.memory_space<hbm>> -> memref<10240x128xf32, #tpu.memory_space<hbm>>
        tpu.enqueue_indirect_dma source(%dma_start3A_69 : memref<10240x128xf32, #tpu.memory_space<hbm>>) target(%arg14 : memref<128x128xf32, #tpu.memory_space<vmem>>) offsets(%arg8 : memref<128xi32, #tpu.memory_space<vmem>>) semaphore(%arg18 : memref<!tpu.dma_semaphore, #tpu.memory_space<semaphore_mem>>)
      } else {
      }
      %dma_wait3A_59 = arith.constant 0 : i32
      %dma_wait3A_60 = arith.constant 0 : i32
      %dma_wait3A_61 = tpu.memref_slice %arg2[%dma_wait3A_59, %dma_wait3A_60] : memref<10240x128xf32, #tpu.memory_space<hbm>> -> memref<10240x128xf32, #tpu.memory_space<hbm>>
      tpu.wait_indirect_dma semaphore(%arg19 : memref<!tpu.dma_semaphore, #tpu.memory_space<semaphore_mem>>) src(%dma_wait3A_61 : memref<10240x128xf32, #tpu.memory_space<hbm>>) dst(%arg15 : memref<128x128xf32, #tpu.memory_space<vmem>>)
      "tpu.region"() ({
        %run_scoped3A = tpu.sem_alloc : memref<!tpu.dma_semaphore, #tpu.memory_space<semaphore_mem>>
        %dma_start3A_62 = arith.constant 0 : i32
        %dma_start3A_63 = arith.constant 0 : i32
        %dma_start3A_64 = tpu.memref_slice %arg16[%dma_start3A_62, %dma_start3A_63] : memref<10112x128xf32, #tpu.memory_space<vmem_shared>> -> memref<10112x128xf32, #tpu.memory_space<vmem_shared>>
        tpu.enqueue_indirect_dma source(%arg15 : memref<128x128xf32, #tpu.memory_space<vmem>>) target(%dma_start3A_64 : memref<10112x128xf32, #tpu.memory_space<vmem_shared>>) offsets(%arg12 : memref<128xi32, #tpu.memory_space<vmem>>) semaphore(%run_scoped3A : memref<!tpu.dma_semaphore, #tpu.memory_space<semaphore_mem>>) {add = true}
        %dma_wait3A_65 = arith.constant 0 : i32
        %dma_wait3A_66 = arith.constant 0 : i32
        %dma_wait3A_67 = tpu.memref_slice %arg16[%dma_wait3A_65, %dma_wait3A_66] : memref<10112x128xf32, #tpu.memory_space<vmem_shared>> -> memref<10112x128xf32, #tpu.memory_space<vmem_shared>>
        tpu.wait_indirect_dma semaphore(%run_scoped3A : memref<!tpu.dma_semaphore, #tpu.memory_space<semaphore_mem>>) src(%arg15 : memref<128x128xf32, #tpu.memory_space<vmem>>) dst(%dma_wait3A_67 : memref<10112x128xf32, #tpu.memory_space<vmem_shared>>)
        tpu.yield
      }) : () -> ()
    }
    %scan3A_18 = arith.constant 13 : i32
    %dma_wait3A = arith.constant 0 : i32
    %dma_wait3A_19 = arith.constant 0 : i32
    %dma_wait3A_20 = tpu.memref_slice %arg2[%dma_wait3A, %dma_wait3A_19] : memref<10240x128xf32, #tpu.memory_space<hbm>> -> memref<10240x128xf32, #tpu.memory_space<hbm>>
    tpu.wait_indirect_dma semaphore(%arg17 : memref<!tpu.dma_semaphore, #tpu.memory_space<semaphore_mem>>) src(%dma_wait3A_20 : memref<10240x128xf32, #tpu.memory_space<hbm>>) dst(%arg13 : memref<128x128xf32, #tpu.memory_space<vmem>>)
    "tpu.region"() ({
      %run_scoped3A = tpu.sem_alloc : memref<!tpu.dma_semaphore, #tpu.memory_space<semaphore_mem>>
      %dma_start3A_22 = arith.constant 0 : i32
      %dma_start3A_23 = arith.constant 0 : i32
      %dma_start3A_24 = tpu.memref_slice %arg16[%dma_start3A_22, %dma_start3A_23] : memref<10112x128xf32, #tpu.memory_space<vmem_shared>> -> memref<10112x128xf32, #tpu.memory_space<vmem_shared>>
      tpu.enqueue_indirect_dma source(%arg13 : memref<128x128xf32, #tpu.memory_space<vmem>>) target(%dma_start3A_24 : memref<10112x128xf32, #tpu.memory_space<vmem_shared>>) offsets(%arg10 : memref<128xi32, #tpu.memory_space<vmem>>) semaphore(%run_scoped3A : memref<!tpu.dma_semaphore, #tpu.memory_space<semaphore_mem>>) {add = true}
      %dma_wait3A_25 = arith.constant 0 : i32
      %dma_wait3A_26 = arith.constant 0 : i32
      %dma_wait3A_27 = tpu.memref_slice %arg16[%dma_wait3A_25, %dma_wait3A_26] : memref<10112x128xf32, #tpu.memory_space<vmem_shared>> -> memref<10112x128xf32, #tpu.memory_space<vmem_shared>>
      tpu.wait_indirect_dma semaphore(%run_scoped3A : memref<!tpu.dma_semaphore, #tpu.memory_space<semaphore_mem>>) src(%arg13 : memref<128x128xf32, #tpu.memory_space<vmem>>) dst(%dma_wait3A_27 : memref<10112x128xf32, #tpu.memory_space<vmem_shared>>)
      tpu.yield
    }) : () -> ()
    %barrier3A_21 = arith.constant 0 : index
    tpu.barrier barrier_id(%barrier3A_21)
    "tpu.region"() ({
      %run_scoped3A = tpu.sem_alloc : memref<!tpu.dma_semaphore, #tpu.memory_space<semaphore_mem>>
      %dma_start3A_22 = arith.constant 0 : i32
      %dma_start3A_23 = tpu.memref_slice %arg6[%arg0, %mul3A_2, %dma_start3A_22] : memref<2x10240x128xf32, #tpu.memory_space<hbm>> -> memref<1x632x128xf32, #tpu.memory_space<hbm>>
      %dma_start3A_24 = tpu.memref_squeeze %dma_start3A_23 : memref<1x632x128xf32, #tpu.memory_space<hbm>> -> memref<632x128xf32, #tpu.memory_space<hbm>>
      %dma_start3A_25 = arith.constant 0 : i32
      %dma_start3A_26 = tpu.memref_slice %arg16[%mul3A_2, %dma_start3A_25] : memref<10112x128xf32, #tpu.memory_space<vmem_shared>> -> memref<632x128xf32, #tpu.memory_space<vmem_shared>>
      tpu.enqueue_dma source(%dma_start3A_26 : memref<632x128xf32, #tpu.memory_space<vmem_shared>>) target(%dma_start3A_24 : memref<632x128xf32, #tpu.memory_space<hbm>>) target_semaphore(%run_scoped3A : memref<!tpu.dma_semaphore, #tpu.memory_space<semaphore_mem>>)
      %dma_wait3A_27 = arith.constant 0 : i32
      %dma_wait3A_28 = tpu.memref_slice %arg6[%arg0, %mul3A_2, %dma_wait3A_27] : memref<2x10240x128xf32, #tpu.memory_space<hbm>> -> memref<1x632x128xf32, #tpu.memory_space<hbm>>
      %dma_wait3A_29 = tpu.memref_squeeze %dma_wait3A_28 : memref<1x632x128xf32, #tpu.memory_space<hbm>> -> memref<632x128xf32, #tpu.memory_space<hbm>>
      %dma_wait3A_30 = arith.constant 0 : i32
      %dma_wait3A_31 = tpu.memref_slice %arg16[%mul3A_2, %dma_wait3A_30] : memref<10112x128xf32, #tpu.memory_space<vmem_shared>> -> memref<632x128xf32, #tpu.memory_space<vmem_shared>>
      tpu.wait_dma2 semaphore(%run_scoped3A : memref<!tpu.dma_semaphore, #tpu.memory_space<semaphore_mem>>) src(%dma_wait3A_31 : memref<632x128xf32, #tpu.memory_space<vmem_shared>>) dst(%dma_wait3A_29 : memref<632x128xf32, #tpu.memory_space<hbm>>)
      tpu.yield
    }) : () -> ()
    return
  }
}

#map = affine_map<(d0, d1) -> (0)>
#map1 = affine_map<(d0, d1) -> (0, 0)>
module attributes {stable_mosaic.version = 14 : i64} {
  func.func @_sc_hist(%arg0: i32, %arg1: i32, %arg2: memref<163840xi32, #tpu.memory_space<hbm>>, %arg3: memref<163840xi32, #tpu.memory_space<hbm>>, %arg4: memref<10240xf32, #tpu.memory_space<hbm>>, %arg5: memref<10240xi32, #tpu.memory_space<hbm>>, %arg6: memref<1310720xf32, #tpu.memory_space<hbm>>, %arg7: memref<2x1310720xf32, #tpu.memory_space<hbm>>, %arg8: memref<32x10240xf32, #tpu.memory_space<hbm>>, %arg9: memref<10240xf32, #tpu.memory_space<vmem>>, %arg10: memref<10240xi32, #tpu.memory_space<vmem>>, %arg11: memref<10240xf32, #tpu.memory_space<vmem>>, %arg12: memref<128xi32, #tpu.memory_space<vmem>>, %arg13: memref<128xi32, #tpu.memory_space<vmem>>, %arg14: memref<128xi32, #tpu.memory_space<vmem>>, %arg15: memref<128xf32, #tpu.memory_space<vmem>>, %arg16: memref<1310720xf32, #tpu.memory_space<vmem_shared>>) attributes {dimension_semantics = [#tpu.dimension_semantics<core_parallel>, #tpu.dimension_semantics<subcore_parallel>], iteration_bounds = array<i64: 2, 16>, scalar_prefetch = 0 : i64, scratch_operands = 8 : i64, tpu.core_type = #tpu.core_type<sc_vector_subcore>, window_params = [{transform_indices = #map}, {transform_indices = #map}, {transform_indices = #map}, {transform_indices = #map}, {transform_indices = #map}, {transform_indices = #map1}, {transform_indices = #map1}]} {
    %mul3A = arith.constant 2 : i32
    %mul3A_0 = arith.muli %arg1, %mul3A : i32
    %add3A = arith.addi %mul3A_0, %arg0 : i32
    %mul3A_1 = arith.constant 81920 : i32
    %mul3A_2 = arith.muli %arg1, %mul3A_1 : i32
    "tpu.region"() ({
      %run_scoped3A = tpu.sem_alloc : memref<!tpu.dma_semaphore, #tpu.memory_space<semaphore_mem>>
      tpu.enqueue_dma source(%arg4 : memref<10240xf32, #tpu.memory_space<hbm>>) target(%arg9 : memref<10240xf32, #tpu.memory_space<vmem>>) target_semaphore(%run_scoped3A : memref<!tpu.dma_semaphore, #tpu.memory_space<semaphore_mem>>)
      tpu.wait_dma2 semaphore(%run_scoped3A : memref<!tpu.dma_semaphore, #tpu.memory_space<semaphore_mem>>) src(%arg4 : memref<10240xf32, #tpu.memory_space<hbm>>) dst(%arg9 : memref<10240xf32, #tpu.memory_space<vmem>>)
      tpu.yield
    }) : () -> ()
    "tpu.region"() ({
      %run_scoped3A = tpu.sem_alloc : memref<!tpu.dma_semaphore, #tpu.memory_space<semaphore_mem>>
      tpu.enqueue_dma source(%arg5 : memref<10240xi32, #tpu.memory_space<hbm>>) target(%arg10 : memref<10240xi32, #tpu.memory_space<vmem>>) target_semaphore(%run_scoped3A : memref<!tpu.dma_semaphore, #tpu.memory_space<semaphore_mem>>)
      tpu.wait_dma2 semaphore(%run_scoped3A : memref<!tpu.dma_semaphore, #tpu.memory_space<semaphore_mem>>) src(%arg5 : memref<10240xi32, #tpu.memory_space<hbm>>) dst(%arg10 : memref<10240xi32, #tpu.memory_space<vmem>>)
      tpu.yield
    }) : () -> ()
    "tpu.region"() ({
      %run_scoped3A = tpu.sem_alloc : memref<!tpu.dma_semaphore, #tpu.memory_space<semaphore_mem>>
      %dma_start3A = tpu.memref_slice %arg16[%mul3A_2] : memref<1310720xf32, #tpu.memory_space<vmem_shared>> -> memref<81920xf32, #tpu.memory_space<vmem_shared>>
      %dma_start3A_17 = tpu.memref_slice %arg6[%mul3A_2] : memref<1310720xf32, #tpu.memory_space<hbm>> -> memref<81920xf32, #tpu.memory_space<hbm>>
      tpu.enqueue_dma source(%dma_start3A_17 : memref<81920xf32, #tpu.memory_space<hbm>>) target(%dma_start3A : memref<81920xf32, #tpu.memory_space<vmem_shared>>) target_semaphore(%run_scoped3A : memref<!tpu.dma_semaphore, #tpu.memory_space<semaphore_mem>>)
      %dma_wait3A = tpu.memref_slice %arg16[%mul3A_2] : memref<1310720xf32, #tpu.memory_space<vmem_shared>> -> memref<81920xf32, #tpu.memory_space<vmem_shared>>
      %dma_wait3A_18 = tpu.memref_slice %arg6[%mul3A_2] : memref<1310720xf32, #tpu.memory_space<hbm>> -> memref<81920xf32, #tpu.memory_space<hbm>>
      tpu.wait_dma2 semaphore(%run_scoped3A : memref<!tpu.dma_semaphore, #tpu.memory_space<semaphore_mem>>) src(%dma_wait3A_18 : memref<81920xf32, #tpu.memory_space<hbm>>) dst(%dma_wait3A : memref<81920xf32, #tpu.memory_space<vmem_shared>>)
      tpu.yield
    }) : () -> ()
    %scan3A = arith.constant 0 : i32
    %scan3A_3 = arith.constant 0 : i32
    %scan3A_4 = arith.constant 640 : i32
    %scan3A_5 = arith.addi %scan3A_3, %scan3A_4 : i32
    %scan3A_6 = arith.constant 1 : i32
    scf.for %scan3A_17 = %scan3A_3 to %scan3A_5 step %scan3A_6  : i32 {
      %broadcast_in_dim3A = arith.constant 0.000000e+00 : f32
      %broadcast_in_dim3A_18 = vector.broadcast %broadcast_in_dim3A : f32 to vector<16xf32>
      %mul3A_19 = arith.constant 16 : i32
      %mul3A_20 = arith.muli %scan3A_17, %mul3A_19 : i32
      %swap3A = arith.index_cast %mul3A_20 : i32 to index
      %swap3A_21 = tpu.vector_load %arg11[%swap3A] {strides = array<i32>} : memref<10240xf32, #tpu.memory_space<vmem>>, vector<16xf32>,
      tpu.vector_store %arg11[%swap3A], %broadcast_in_dim3A_18 {strides = array<i32>} : memref<10240xf32, #tpu.memory_space<vmem>>, vector<16xf32>,
    }
    %scan3A_7 = arith.constant 640 : i32
    %barrier3A = arith.constant 0 : index
    tpu.barrier barrier_id(%barrier3A)
    %mul3A_8 = arith.constant 5120 : i32
    %mul3A_9 = arith.muli %add3A, %mul3A_8 : i32
    %scan3A_10 = arith.constant 0 : i32
    %scan3A_11 = arith.constant 0 : i32
    %scan3A_12 = arith.constant 40 : i32
    %scan3A_13 = arith.addi %scan3A_11, %scan3A_12 : i32
    %scan3A_14 = arith.constant 1 : i32
    scf.for %scan3A_17 = %scan3A_11 to %scan3A_13 step %scan3A_14  : i32 {
      %mul3A_18 = arith.constant 128 : i32
      %mul3A_19 = arith.muli %scan3A_17, %mul3A_18 : i32
      %add3A_20 = arith.addi %mul3A_9, %mul3A_19 : i32
      "tpu.region"() ({
        %run_scoped3A = tpu.sem_alloc : memref<!tpu.dma_semaphore, #tpu.memory_space<semaphore_mem>>
        %dma_start3A = tpu.memref_slice %arg2[%add3A_20] : memref<163840xi32, #tpu.memory_space<hbm>> -> memref<128xi32, #tpu.memory_space<hbm>>
        %dma_start3A_30 = tpu.memref_slice %arg2[%add3A_20] : memref<163840xi32, #tpu.memory_space<hbm>> -> memref<128xi32, #tpu.memory_space<hbm>>
        tpu.enqueue_dma source(%dma_start3A_30 : memref<128xi32, #tpu.memory_space<hbm>>) target(%arg12 : memref<128xi32, #tpu.memory_space<vmem>>) target_semaphore(%run_scoped3A : memref<!tpu.dma_semaphore, #tpu.memory_space<semaphore_mem>>)
        %dma_wait3A = tpu.memref_slice %arg2[%add3A_20] : memref<163840xi32, #tpu.memory_space<hbm>> -> memref<128xi32, #tpu.memory_space<hbm>>
        %dma_wait3A_31 = tpu.memref_slice %arg2[%add3A_20] : memref<163840xi32, #tpu.memory_space<hbm>> -> memref<128xi32, #tpu.memory_space<hbm>>
        tpu.wait_dma2 semaphore(%run_scoped3A : memref<!tpu.dma_semaphore, #tpu.memory_space<semaphore_mem>>) src(%dma_wait3A_31 : memref<128xi32, #tpu.memory_space<hbm>>) dst(%arg12 : memref<128xi32, #tpu.memory_space<vmem>>)
        tpu.yield
      }) : () -> ()
      %mul3A_21 = arith.constant 128 : i32
      %mul3A_22 = arith.muli %scan3A_17, %mul3A_21 : i32
      %add3A_23 = arith.addi %mul3A_9, %mul3A_22 : i32
      "tpu.region"() ({
        %run_scoped3A = tpu.sem_alloc : memref<!tpu.dma_semaphore, #tpu.memory_space<semaphore_mem>>
        %dma_start3A = tpu.memref_slice %arg3[%add3A_23] : memref<163840xi32, #tpu.memory_space<hbm>> -> memref<128xi32, #tpu.memory_space<hbm>>
        %dma_start3A_30 = tpu.memref_slice %arg3[%add3A_23] : memref<163840xi32, #tpu.memory_space<hbm>> -> memref<128xi32, #tpu.memory_space<hbm>>
        tpu.enqueue_dma source(%dma_start3A_30 : memref<128xi32, #tpu.memory_space<hbm>>) target(%arg13 : memref<128xi32, #tpu.memory_space<vmem>>) target_semaphore(%run_scoped3A : memref<!tpu.dma_semaphore, #tpu.memory_space<semaphore_mem>>)
        %dma_wait3A = tpu.memref_slice %arg3[%add3A_23] : memref<163840xi32, #tpu.memory_space<hbm>> -> memref<128xi32, #tpu.memory_space<hbm>>
        %dma_wait3A_31 = tpu.memref_slice %arg3[%add3A_23] : memref<163840xi32, #tpu.memory_space<hbm>> -> memref<128xi32, #tpu.memory_space<hbm>>
        tpu.wait_dma2 semaphore(%run_scoped3A : memref<!tpu.dma_semaphore, #tpu.memory_space<semaphore_mem>>) src(%dma_wait3A_31 : memref<128xi32, #tpu.memory_space<hbm>>) dst(%arg13 : memref<128xi32, #tpu.memory_space<vmem>>)
        tpu.yield
      }) : () -> ()
      %scan3A_24 = arith.constant 0 : i32
      %scan3A_25 = arith.constant 0 : i32
      %scan3A_26 = arith.constant 8 : i32
      %scan3A_27 = arith.addi %scan3A_25, %scan3A_26 : i32
      %scan3A_28 = arith.constant 1 : i32
      scf.for %scan3A_30 = %scan3A_25 to %scan3A_27 step %scan3A_28  : i32 {
        %mul3A_31 = arith.constant 16 : i32
        %mul3A_32 = arith.muli %scan3A_30, %mul3A_31 : i32
        %get3A = arith.index_cast %mul3A_32 : i32 to index
        %get3A_33 = tpu.vector_load %arg12[%get3A] {strides = array<i32>} : memref<128xi32, #tpu.memory_space<vmem>>, vector<16xi32>,
        %mul3A_34 = arith.constant 16 : i32
        %mul3A_35 = arith.muli %scan3A_30, %mul3A_34 : i32
        %get3A_36 = arith.index_cast %mul3A_35 : i32 to index
        %get3A_37 = tpu.vector_load %arg13[%get3A_36] {strides = array<i32>} : memref<128xi32, #tpu.memory_space<vmem>>, vector<16xi32>,
        %gather3A = tpu.vector_load_idx %arg9[%get3A_37] : memref<10240xf32, #tpu.memory_space<vmem>>[vector<16xi32>], vector<16xf32>,
        tpu.vector_store_idx %arg11[%get3A_33], %gather3A {add = true} : memref<10240xf32, #tpu.memory_space<vmem>>[vector<16xi32>], vector<16xf32>,
        %gather3A_38 = tpu.vector_load_idx %arg9[%get3A_33] : memref<10240xf32, #tpu.memory_space<vmem>>[vector<16xi32>], vector<16xf32>,
        %gather3A_39 = tpu.vector_load_idx %arg10[%get3A_33] : memref<10240xi32, #tpu.memory_space<vmem>>[vector<16xi32>], vector<16xi32>,
        %mul3A_40 = arith.constant 128 : i32
        %mul3A_41 = vector.broadcast %mul3A_40 : i32 to vector<16xi32>
        %mul3A_42 = arith.muli %get3A_37, %mul3A_41 : vector<16xi32>
        %add3A_43 = arith.addi %mul3A_42, %gather3A_39 : vector<16xi32>
        %mul3A_44 = arith.constant 16 : i32
        %mul3A_45 = arith.muli %scan3A_30, %mul3A_44 : i32
        %swap3A = arith.index_cast %mul3A_45 : i32 to index
        %swap3A_46 = tpu.vector_load %arg14[%swap3A] {strides = array<i32>} : memref<128xi32, #tpu.memory_space<vmem>>, vector<16xi32>,
        tpu.vector_store %arg14[%swap3A], %add3A_43 {strides = array<i32>} : memref<128xi32, #tpu.memory_space<vmem>>, vector<16xi32>,
        %mul3A_47 = arith.constant 16 : i32
        %mul3A_48 = arith.muli %scan3A_30, %mul3A_47 : i32
        %swap3A_49 = arith.index_cast %mul3A_48 : i32 to index
        %swap3A_50 = tpu.vector_load %arg15[%swap3A_49] {strides = array<i32>} : memref<128xf32, #tpu.memory_space<vmem>>, vector<16xf32>,
        tpu.vector_store %arg15[%swap3A_49], %gather3A_38 {strides = array<i32>} : memref<128xf32, #tpu.memory_space<vmem>>, vector<16xf32>,
      }
      %scan3A_29 = arith.constant 8 : i32
      "tpu.region"() ({
        %run_scoped3A = tpu.sem_alloc : memref<!tpu.dma_semaphore, #tpu.memory_space<semaphore_mem>>
        %dma_start3A = arith.constant 0 : i32
        %dma_start3A_30 = tpu.memref_slice %arg16[%dma_start3A] : memref<1310720xf32, #tpu.memory_space<vmem_shared>> -> memref<1310720xf32, #tpu.memory_space<vmem_shared>>
        tpu.enqueue_indirect_dma source(%arg15 : memref<128xf32, #tpu.memory_space<vmem>>) target(%dma_start3A_30 : memref<1310720xf32, #tpu.memory_space<vmem_shared>>) offsets(%arg14 : memref<128xi32, #tpu.memory_space<vmem>>) semaphore(%run_scoped3A : memref<!tpu.dma_semaphore, #tpu.memory_space<semaphore_mem>>) {add = true}
        %dma_wait3A = arith.constant 0 : i32
        %dma_wait3A_31 = tpu.memref_slice %arg16[%dma_wait3A] : memref<1310720xf32, #tpu.memory_space<vmem_shared>> -> memref<1310720xf32, #tpu.memory_space<vmem_shared>>
        tpu.wait_indirect_dma semaphore(%run_scoped3A : memref<!tpu.dma_semaphore, #tpu.memory_space<semaphore_mem>>) src(%arg15 : memref<128xf32, #tpu.memory_space<vmem>>) dst(%dma_wait3A_31 : memref<1310720xf32, #tpu.memory_space<vmem_shared>>)
        tpu.yield
      }) : () -> ()
    }
    %scan3A_15 = arith.constant 40 : i32
    "tpu.region"() ({
      %run_scoped3A = tpu.sem_alloc : memref<!tpu.dma_semaphore, #tpu.memory_space<semaphore_mem>>
      %dma_start3A = arith.constant 0 : i32
      %dma_start3A_17 = tpu.memref_slice %arg8[%add3A, %dma_start3A] : memref<32x10240xf32, #tpu.memory_space<hbm>> -> memref<1x10240xf32, #tpu.memory_space<hbm>>
      %dma_start3A_18 = tpu.memref_squeeze %dma_start3A_17 : memref<1x10240xf32, #tpu.memory_space<hbm>> -> memref<10240xf32, #tpu.memory_space<hbm>>
      %dma_start3A_19 = arith.constant 0 : i32
      %dma_start3A_20 = tpu.memref_slice %arg8[%add3A, %dma_start3A_19] : memref<32x10240xf32, #tpu.memory_space<hbm>> -> memref<1x10240xf32, #tpu.memory_space<hbm>>
      %dma_start3A_21 = tpu.memref_squeeze %dma_start3A_20 : memref<1x10240xf32, #tpu.memory_space<hbm>> -> memref<10240xf32, #tpu.memory_space<hbm>>
      tpu.enqueue_dma source(%arg11 : memref<10240xf32, #tpu.memory_space<vmem>>) target(%dma_start3A_21 : memref<10240xf32, #tpu.memory_space<hbm>>) target_semaphore(%run_scoped3A : memref<!tpu.dma_semaphore, #tpu.memory_space<semaphore_mem>>)
      %dma_wait3A = arith.constant 0 : i32
      %dma_wait3A_22 = tpu.memref_slice %arg8[%add3A, %dma_wait3A] : memref<32x10240xf32, #tpu.memory_space<hbm>> -> memref<1x10240xf32, #tpu.memory_space<hbm>>
      %dma_wait3A_23 = tpu.memref_squeeze %dma_wait3A_22 : memref<1x10240xf32, #tpu.memory_space<hbm>> -> memref<10240xf32, #tpu.memory_space<hbm>>
      %dma_wait3A_24 = arith.constant 0 : i32
      %dma_wait3A_25 = tpu.memref_slice %arg8[%add3A, %dma_wait3A_24] : memref<32x10240xf32, #tpu.memory_space<hbm>> -> memref<1x10240xf32, #tpu.memory_space<hbm>>
      %dma_wait3A_26 = tpu.memref_squeeze %dma_wait3A_25 : memref<1x10240xf32, #tpu.memory_space<hbm>> -> memref<10240xf32, #tpu.memory_space<hbm>>
      tpu.wait_dma2 semaphore(%run_scoped3A : memref<!tpu.dma_semaphore, #tpu.memory_space<semaphore_mem>>) src(%arg11 : memref<10240xf32, #tpu.memory_space<vmem>>) dst(%dma_wait3A_26 : memref<10240xf32, #tpu.memory_space<hbm>>)
      tpu.yield
    }) : () -> ()
    %barrier3A_16 = arith.constant 0 : index
    tpu.barrier barrier_id(%barrier3A_16)
    "tpu.region"() ({
      %run_scoped3A = tpu.sem_alloc : memref<!tpu.dma_semaphore, #tpu.memory_space<semaphore_mem>>
      %dma_start3A = tpu.memref_slice %arg7[%arg0, %mul3A_2] : memref<2x1310720xf32, #tpu.memory_space<hbm>> -> memref<1x81920xf32, #tpu.memory_space<hbm>>
      %dma_start3A_17 = tpu.memref_squeeze %dma_start3A : memref<1x81920xf32, #tpu.memory_space<hbm>> -> memref<81920xf32, #tpu.memory_space<hbm>>
      %dma_start3A_18 = tpu.memref_slice %arg16[%mul3A_2] : memref<1310720xf32, #tpu.memory_space<vmem_shared>> -> memref<81920xf32, #tpu.memory_space<vmem_shared>>
      tpu.enqueue_dma source(%dma_start3A_18 : memref<81920xf32, #tpu.memory_space<vmem_shared>>) target(%dma_start3A_17 : memref<81920xf32, #tpu.memory_space<hbm>>) target_semaphore(%run_scoped3A : memref<!tpu.dma_semaphore, #tpu.memory_space<semaphore_mem>>)
      %dma_wait3A = tpu.memref_slice %arg7[%arg0, %mul3A_2] : memref<2x1310720xf32, #tpu.memory_space<hbm>> -> memref<1x81920xf32, #tpu.memory_space<hbm>>
      %dma_wait3A_19 = tpu.memref_squeeze %dma_wait3A : memref<1x81920xf32, #tpu.memory_space<hbm>> -> memref<81920xf32, #tpu.memory_space<hbm>>
      %dma_wait3A_20 = tpu.memref_slice %arg16[%mul3A_2] : memref<1310720xf32, #tpu.memory_space<vmem_shared>> -> memref<81920xf32, #tpu.memory_space<vmem_shared>>
      tpu.wait_dma2 semaphore(%run_scoped3A : memref<!tpu.dma_semaphore, #tpu.memory_space<semaphore_mem>>) src(%dma_wait3A_20 : memref<81920xf32, #tpu.memory_space<vmem_shared>>) dst(%dma_wait3A_19 : memref<81920xf32, #tpu.memory_space<hbm>>)
      tpu.yield
    }) : () -> ()
    return
  }
}

module attributes {stable_mosaic.version = 14 : i64} {
  func.func @_dinv_body(%arg0: i32, %arg1: memref<32x512xf32, #tpu.memory_space<vmem>>, %arg2: memref<512x128xf32, #tpu.memory_space<vmem>>) attributes {dimension_semantics = [#tpu.dimension_semantics<arbitrary>], iteration_bounds = array<i64: 20>, scalar_prefetch = 0 : i64, scratch_operands = 0 : i64, tpu.core_type = #tpu.core_type<tc>, window_params = [{transform_indices = @transform_0, window_bounds = array<i64: 32, 512>}, {transform_indices = @transform_1, window_bounds = array<i64: 512, 128>}]} {
    %get3A = arith.constant 0 : index
    %get3A_0 = arith.constant 0 : index
    %get3A_1 = vector.load %arg1[%get3A, %get3A_0] : memref<32x512xf32, #tpu.memory_space<vmem>>, vector<32x512xf32>
    %broadcast_in_dim3A = arith.constant 1.000000e+00 : f32
    %broadcast_in_dim3A_2 = vector.broadcast %broadcast_in_dim3A : f32 to vector<32x128xf32>
    %dot_general3A = arith.constant dense<0.000000e+00> : vector<512x128xf32>
    %dot_general3A_3 = tpu.matmul %get3A_1, %broadcast_in_dim3A_2, %dot_general3A {dimension_numbers = #tpu.dot_dimension_numbers<[0], [0], [1], [1], [0, 1, 1, 1], [], []>, precision = #tpu.contract_precision<fp32>, transpose_lhs_hint = false} : vector<32x512xf32>, vector<32x128xf32>, vector<512x128xf32> -> vector<512x128xf32>
    %add3A = arith.constant 1.000000e+00 : f32
    %add3A_4 = vector.broadcast %add3A : f32 to vector<512x128xf32>
    %add3A_5 = arith.addf %dot_general3A_3, %add3A_4 : vector<512x128xf32>
    %rsqrt3A = math.rsqrt %add3A_5 : vector<512x128xf32>
    %iota3A = tpu.iota {dimensions = array<i32: 0>} : vector<512x128xi32>
    %mul3A = arith.constant 512 : i32
    %mul3A_6 = arith.muli %arg0, %mul3A : i32
    %add3A_7 = vector.broadcast %mul3A_6 : i32 to vector<512x128xi32>
    %add3A_8 = arith.addi %iota3A, %add3A_7 : vector<512x128xi32>
    %lt3A = arith.constant 10000 : i32
    %lt3A_9 = vector.broadcast %lt3A : i32 to vector<512x128xi32>
    %lt3A_10 = arith.cmpi slt, %add3A_8, %lt3A_9 : vector<512x128xi32>
    %jit3A = arith.constant 0.000000e+00 : f32
    %broadcast_in_dim3A_11 = vector.broadcast %jit3A : f32 to vector<512x128xf32>
    %select_n3A = arith.select %lt3A_10, %rsqrt3A, %broadcast_in_dim3A_11 : vector<512x128xi1>, vector<512x128xf32>
    %swap3A = arith.constant 0 : index
    %swap3A_12 = arith.constant 0 : index
    %swap3A_13 = vector.load %arg2[%swap3A, %swap3A_12] : memref<512x128xf32, #tpu.memory_space<vmem>>, vector<512x128xf32>
    tpu.vector_store %arg2[%swap3A, %swap3A_12], %select_n3A {strides = array<i32>} : memref<512x128xf32, #tpu.memory_space<vmem>>, vector<512x128xf32>,
    return
  }
  func.func @transform_0(%arg0: i32) -> (i32, i32) {
    %c0_i32 = arith.constant 0 : i32
    %c0_i32_0 = arith.constant 0 : i32
    return %c0_i32, %arg0 : i32, i32
  }
  func.func @transform_1(%arg0: i32) -> (i32, i32) {
    %c0_i32 = arith.constant 0 : i32
    %c0_i32_0 = arith.constant 0 : i32
    return %arg0, %c0_i32 : i32, i32
  }
}

module attributes {stable_mosaic.version = 14 : i64} {
  func.func @_t1_body(%arg0: memref<128x256xf32, #tpu.memory_space<vmem>>, %arg1: memref<256x128xf32, #tpu.memory_space<vmem>>, %arg2: memref<128x128xf32, #tpu.memory_space<vmem>>) attributes {dimension_semantics = [], scalar_prefetch = 0 : i64, scratch_operands = 0 : i64, tpu.core_type = #tpu.core_type<tc>} {
    %get3A = arith.constant 0 : index
    %get3A_0 = arith.constant 0 : index
    %get3A_1 = vector.load %arg0[%get3A, %get3A_0] : memref<128x256xf32, #tpu.memory_space<vmem>>, vector<128x256xf32>
    %get3A_2 = arith.constant 0 : index
    %get3A_3 = arith.constant 0 : index
    %get3A_4 = vector.load %arg1[%get3A_2, %get3A_3] : memref<256x128xf32, #tpu.memory_space<vmem>>, vector<256x128xf32>
    %dot_general3A = arith.constant dense<0.000000e+00> : vector<128x128xf32>
    %dot_general3A_5 = tpu.matmul %get3A_1, %get3A_4, %dot_general3A {dimension_numbers = #tpu.dot_dimension_numbers<[1], [0], [0], [1], [0, 0, 1, 1], [], []>, precision = #tpu.contract_precision<fp32>, transpose_lhs_hint = false} : vector<128x256xf32>, vector<256x128xf32>, vector<128x128xf32> -> vector<128x128xf32>
    %swap3A = arith.constant 0 : index
    %swap3A_6 = arith.constant 0 : index
    %swap3A_7 = vector.load %arg2[%swap3A, %swap3A_6] : memref<128x128xf32, #tpu.memory_space<vmem>>, vector<128x128xf32>
    tpu.vector_store %arg2[%swap3A, %swap3A_6], %dot_general3A_5 {strides = array<i32>} : memref<128x128xf32, #tpu.memory_space<vmem>>, vector<128x128xf32>,
    return
  }
}

module attributes {stable_mosaic.version = 14 : i64} {
  func.func @_hs1_body(%arg0: i32, %arg1: memref<8x512xf32, #tpu.memory_space<vmem>>, %arg2: memref<128x128xf32, #tpu.memory_space<vmem>>, %arg3: memref<512x128xf32, #tpu.memory_space<vmem>>, %arg4: memref<512x128xf32, #tpu.memory_space<vmem>>) attributes {dimension_semantics = [#tpu.dimension_semantics<arbitrary>], iteration_bounds = array<i64: 20>, scalar_prefetch = 0 : i64, scratch_operands = 0 : i64, tpu.core_type = #tpu.core_type<tc>, window_params = [{transform_indices = @transform_0, window_bounds = array<i64: 8, 512>}, {pipeline_mode = #tpu.pipeline_mode<synchronous>, transform_indices = @transform_1, window_bounds = array<i64: 128, 128>}, {transform_indices = @transform_2, window_bounds = array<i64: 512, 128>}, {transform_indices = @transform_3, window_bounds = array<i64: 512, 128>}]} {
    %get3A = arith.constant 0 : index
    %get3A_0 = arith.constant 0 : index
    %get3A_1 = vector.load %arg1[%get3A, %get3A_0] : memref<8x512xf32, #tpu.memory_space<vmem>>, vector<8x512xf32>
    %broadcast_in_dim3A = arith.constant 1.000000e+00 : f32
    %broadcast_in_dim3A_2 = vector.broadcast %broadcast_in_dim3A : f32 to vector<8x128xf32>
    %dot_general3A = arith.constant dense<0.000000e+00> : vector<512x128xf32>
    %dot_general3A_3 = tpu.matmul %get3A_1, %broadcast_in_dim3A_2, %dot_general3A {dimension_numbers = #tpu.dot_dimension_numbers<[0], [0], [1], [1], [0, 1, 1, 1], [], []>, precision = #tpu.contract_precision<fp32>, transpose_lhs_hint = false} : vector<8x512xf32>, vector<8x128xf32>, vector<512x128xf32> -> vector<512x128xf32>
    %iota3A = tpu.iota {dimensions = array<i32: 1>} : vector<512x128xi32>
    %convert_element_type3A = arith.sitofp %iota3A : vector<512x128xi32> to vector<512x128xf32>
    %eq3A = arith.cmpf oeq, %dot_general3A_3, %convert_element_type3A : vector<512x128xf32>
    %jit3A = arith.constant 1.000000e+00 : f32
    %jit3A_4 = arith.constant 0.000000e+00 : f32
    %broadcast_in_dim3A_5 = vector.broadcast %jit3A : f32 to vector<512x128xf32>
    %broadcast_in_dim3A_6 = vector.broadcast %jit3A_4 : f32 to vector<512x128xf32>
    %select_n3A = arith.select %eq3A, %broadcast_in_dim3A_5, %broadcast_in_dim3A_6 : vector<512x128xi1>, vector<512x128xf32>
    %get3A_7 = arith.constant 0 : index
    %get3A_8 = arith.constant 0 : index
    %get3A_9 = vector.load %arg2[%get3A_7, %get3A_8] : memref<128x128xf32, #tpu.memory_space<vmem>>, vector<128x128xf32>
    %dot_general3A_10 = arith.constant dense<0.000000e+00> : vector<512x128xf32>
    %dot_general3A_11 = tpu.matmul %select_n3A, %get3A_9, %dot_general3A_10 {dimension_numbers = #tpu.dot_dimension_numbers<[1], [0], [0], [1], [0, 0, 1, 1], [], []>, precision = #tpu.contract_precision<fp32>, transpose_lhs_hint = false} : vector<512x128xf32>, vector<128x128xf32>, vector<512x128xf32> -> vector<512x128xf32>
    %get3A_12 = arith.constant 0 : index
    %get3A_13 = arith.constant 0 : index
    %get3A_14 = vector.load %arg3[%get3A_12, %get3A_13] : memref<512x128xf32, #tpu.memory_space<vmem>>, vector<512x128xf32>
    %mul3A = arith.mulf %dot_general3A_11, %get3A_14 : vector<512x128xf32>
    %swap3A = arith.constant 0 : index
    %swap3A_15 = arith.constant 0 : index
    %swap3A_16 = vector.load %arg4[%swap3A, %swap3A_15] : memref<512x128xf32, #tpu.memory_space<vmem>>, vector<512x128xf32>
    tpu.vector_store %arg4[%swap3A, %swap3A_15], %mul3A {strides = array<i32>} : memref<512x128xf32, #tpu.memory_space<vmem>>, vector<512x128xf32>,
    return
  }
  func.func @transform_0(%arg0: i32) -> (i32, i32) {
    %c0_i32 = arith.constant 0 : i32
    %c0_i32_0 = arith.constant 0 : i32
    return %c0_i32, %arg0 : i32, i32
  }
  func.func @transform_1(%arg0: i32) -> (i32, i32) {
    %c0_i32 = arith.constant 0 : i32
    %c0_i32_0 = arith.constant 0 : i32
    %c0_i32_1 = arith.constant 0 : i32
    return %c0_i32, %c0_i32_0 : i32, i32
  }
  func.func @transform_2(%arg0: i32) -> (i32, i32) {
    %c0_i32 = arith.constant 0 : i32
    %c0_i32_0 = arith.constant 0 : i32
    return %arg0, %c0_i32 : i32, i32
  }
  func.func @transform_3(%arg0: i32) -> (i32, i32) {
    %c0_i32 = arith.constant 0 : i32
    %c0_i32_0 = arith.constant 0 : i32
    return %arg0, %c0_i32 : i32, i32
  }
}

module attributes {stable_mosaic.version = 14 : i64} {
  func.func @_layer1_body(%arg0: i32, %arg1: memref<512x128xf32, #tpu.memory_space<vmem>>, %arg2: memref<512x128xf32, #tpu.memory_space<vmem>>, %arg3: memref<128x128xf32, #tpu.memory_space<vmem>>, %arg4: memref<512x128xf32, #tpu.memory_space<vmem>>, %arg5: memref<512x128xf32, #tpu.memory_space<vmem>>, %arg6: memref<1x128xf32, #tpu.memory_space<vmem>>, %arg7: memref<128x128xf32, #tpu.memory_space<vmem>>, %arg8: memref<512x128xf32, #tpu.memory_space<vmem>>) attributes {dimension_semantics = [#tpu.dimension_semantics<arbitrary>], iteration_bounds = array<i64: 20>, scalar_prefetch = 0 : i64, scratch_operands = 0 : i64, tpu.core_type = #tpu.core_type<tc>, window_params = [{transform_indices = @transform_0, window_bounds = array<i64: 512, 128>}, {transform_indices = @transform_1, window_bounds = array<i64: 512, 128>}, {pipeline_mode = #tpu.pipeline_mode<synchronous>, transform_indices = @transform_2, window_bounds = array<i64: 128, 128>}, {transform_indices = @transform_3, window_bounds = array<i64: 512, 128>}, {transform_indices = @transform_4, window_bounds = array<i64: 512, 128>}, {pipeline_mode = #tpu.pipeline_mode<synchronous>, transform_indices = @transform_5, window_bounds = array<i64: 1, 128>}, {pipeline_mode = #tpu.pipeline_mode<synchronous>, transform_indices = @transform_6, window_bounds = array<i64: 128, 128>}, {transform_indices = @transform_7, window_bounds = array<i64: 512, 128>}]} {
    %get3A = arith.constant 0 : index
    %get3A_0 = arith.constant 0 : index
    %get3A_1 = vector.load %arg5[%get3A, %get3A_0] : memref<512x128xf32, #tpu.memory_space<vmem>>, vector<512x128xf32>
    %get3A_2 = arith.constant 0 : index
    %get3A_3 = arith.constant 0 : index
    %get3A_4 = vector.load %arg1[%get3A_2, %get3A_3] : memref<512x128xf32, #tpu.memory_space<vmem>>, vector<512x128xf32>
    %get3A_5 = arith.constant 0 : index
    %get3A_6 = arith.constant 0 : index
    %get3A_7 = vector.load %arg2[%get3A_5, %get3A_6] : memref<512x128xf32, #tpu.memory_space<vmem>>, vector<512x128xf32>
    %add3A = arith.addf %get3A_4, %get3A_7 : vector<512x128xf32>
    %get3A_8 = arith.constant 0 : index
    %get3A_9 = arith.constant 0 : index
    %get3A_10 = vector.load %arg3[%get3A_8, %get3A_9] : memref<128x128xf32, #tpu.memory_space<vmem>>, vector<128x128xf32>
    %dot_general3A = arith.constant dense<0.000000e+00> : vector<512x128xf32>
    %dot_general3A_11 = tpu.matmul %add3A, %get3A_10, %dot_general3A {dimension_numbers = #tpu.dot_dimension_numbers<[1], [0], [0], [1], [0, 0, 1, 1], [], []>, precision = #tpu.contract_precision<fp32>, transpose_lhs_hint = false} : vector<512x128xf32>, vector<128x128xf32>, vector<512x128xf32> -> vector<512x128xf32>
    %get3A_12 = arith.constant 0 : index
    %get3A_13 = arith.constant 0 : index
    %get3A_14 = vector.load %arg4[%get3A_12, %get3A_13] : memref<512x128xf32, #tpu.memory_space<vmem>>, vector<512x128xf32>
    %add3A_15 = arith.addf %dot_general3A_11, %get3A_14 : vector<512x128xf32>
    %mul3A = arith.mulf %add3A_15, %get3A_1 : vector<512x128xf32>
    %get3A_16 = arith.constant 0 : index
    %get3A_17 = arith.constant 0 : index
    %get3A_18 = vector.load %arg6[%get3A_16, %get3A_17] : memref<1x128xf32, #tpu.memory_space<vmem>>, vector<1x128xf32>
    %add3A_19 = vector.broadcast %get3A_18 : vector<1x128xf32> to vector<512x128xf32>
    %add3A_20 = arith.addf %mul3A, %add3A_19 : vector<512x128xf32>
    %max3A = arith.constant 0.000000e+00 : f32
    %max3A_21 = vector.broadcast %max3A : f32 to vector<512x128xf32>
    %max3A_22 = arith.maximumf %add3A_20, %max3A_21 : vector<512x128xf32>
    %get3A_23 = arith.constant 0 : index
    %get3A_24 = arith.constant 0 : index
    %get3A_25 = vector.load %arg7[%get3A_23, %get3A_24] : memref<128x128xf32, #tpu.memory_space<vmem>>, vector<128x128xf32>
    %dot_general3A_26 = arith.constant dense<0.000000e+00> : vector<512x128xf32>
    %dot_general3A_27 = tpu.matmul %max3A_22, %get3A_25, %dot_general3A_26 {dimension_numbers = #tpu.dot_dimension_numbers<[1], [0], [0], [1], [0, 0, 1, 1], [], []>, precision = #tpu.contract_precision<fp32>, transpose_lhs_hint = false} : vector<512x128xf32>, vector<128x128xf32>, vector<512x128xf32> -> vector<512x128xf32>
    %mul3A_28 = arith.mulf %dot_general3A_27, %get3A_1 : vector<512x128xf32>
    %swap3A = arith.constant 0 : index
    %swap3A_29 = arith.constant 0 : index
    %swap3A_30 = vector.load %arg8[%swap3A, %swap3A_29] : memref<512x128xf32, #tpu.memory_space<vmem>>, vector<512x128xf32>
    tpu.vector_store %arg8[%swap3A, %swap3A_29], %mul3A_28 {strides = array<i32>} : memref<512x128xf32, #tpu.memory_space<vmem>>, vector<512x128xf32>,
    return
  }
  func.func @transform_0(%arg0: i32) -> (i32, i32) {
    %c0_i32 = arith.constant 0 : i32
    %c0_i32_0 = arith.constant 0 : i32
    return %arg0, %c0_i32 : i32, i32
  }
  func.func @transform_1(%arg0: i32) -> (i32, i32) {
    %c0_i32 = arith.constant 0 : i32
    %c0_i32_0 = arith.constant 0 : i32
    return %arg0, %c0_i32 : i32, i32
  }
  func.func @transform_2(%arg0: i32) -> (i32, i32) {
    %c0_i32 = arith.constant 0 : i32
    %c0_i32_0 = arith.constant 0 : i32
    %c0_i32_1 = arith.constant 0 : i32
    return %c0_i32, %c0_i32_0 : i32, i32
  }
  func.func @transform_3(%arg0: i32) -> (i32, i32) {
    %c0_i32 = arith.constant 0 : i32
    %c0_i32_0 = arith.constant 0 : i32
    return %arg0, %c0_i32 : i32, i32
  }
  func.func @transform_4(%arg0: i32) -> (i32, i32) {
    %c0_i32 = arith.constant 0 : i32
    %c0_i32_0 = arith.constant 0 : i32
    return %arg0, %c0_i32 : i32, i32
  }
  func.func @transform_5(%arg0: i32) -> (i32, i32) {
    %c0_i32 = arith.constant 0 : i32
    %c0_i32_0 = arith.constant 0 : i32
    %c0_i32_1 = arith.constant 0 : i32
    return %c0_i32, %c0_i32_0 : i32, i32
  }
  func.func @transform_6(%arg0: i32) -> (i32, i32) {
    %c0_i32 = arith.constant 0 : i32
    %c0_i32_0 = arith.constant 0 : i32
    %c0_i32_1 = arith.constant 0 : i32
    return %c0_i32, %c0_i32_0 : i32, i32
  }
  func.func @transform_7(%arg0: i32) -> (i32, i32) {
    %c0_i32 = arith.constant 0 : i32
    %c0_i32_0 = arith.constant 0 : i32
    return %arg0, %c0_i32 : i32, i32
  }
}

module attributes {stable_mosaic.version = 14 : i64} {
  func.func @_final_body(%arg0: i32, %arg1: memref<512x128xf32, #tpu.memory_space<vmem>>, %arg2: memref<512x128xf32, #tpu.memory_space<vmem>>, %arg3: memref<512x128xf32, #tpu.memory_space<vmem>>, %arg4: memref<512x128xf32, #tpu.memory_space<vmem>>, %arg5: memref<1x128xf32, #tpu.memory_space<vmem>>, %arg6: memref<32x512xf32, #tpu.memory_space<vmem>>, %arg7: memref<128x256xf32, #tpu.memory_space<vmem>>, %arg8: memref<1x256xf32, #tpu.memory_space<vmem>>, %arg9: memref<128x128xf32, #tpu.memory_space<vmem>>, %arg10: memref<1x256xf32, #tpu.memory_space<vmem>>) attributes {dimension_semantics = [#tpu.dimension_semantics<arbitrary>], iteration_bounds = array<i64: 20>, scalar_prefetch = 0 : i64, scratch_operands = 0 : i64, tpu.core_type = #tpu.core_type<tc>, window_params = [{transform_indices = @transform_0, window_bounds = array<i64: 512, 128>}, {transform_indices = @transform_1, window_bounds = array<i64: 512, 128>}, {transform_indices = @transform_2, window_bounds = array<i64: 512, 128>}, {transform_indices = @transform_3, window_bounds = array<i64: 512, 128>}, {pipeline_mode = #tpu.pipeline_mode<synchronous>, transform_indices = @transform_4, window_bounds = array<i64: 1, 128>}, {transform_indices = @transform_5, window_bounds = array<i64: 32, 512>}, {pipeline_mode = #tpu.pipeline_mode<synchronous>, transform_indices = @transform_6, window_bounds = array<i64: 128, 256>}, {pipeline_mode = #tpu.pipeline_mode<synchronous>, transform_indices = @transform_7, window_bounds = array<i64: 1, 256>}, {pipeline_mode = #tpu.pipeline_mode<synchronous>, transform_indices = @transform_8, window_bounds = array<i64: 128, 128>}, {pipeline_mode = #tpu.pipeline_mode<synchronous>, transform_indices = @transform_9, window_bounds = array<i64: 1, 256>}]} {
    %get3A = arith.constant 0 : index
    %get3A_0 = arith.constant 0 : index
    %get3A_1 = vector.load %arg4[%get3A, %get3A_0] : memref<512x128xf32, #tpu.memory_space<vmem>>, vector<512x128xf32>
    %gt3A = arith.constant 0.000000e+00 : f32
    %gt3A_2 = vector.broadcast %gt3A : f32 to vector<512x128xf32>
    %gt3A_3 = arith.cmpf ogt, %get3A_1, %gt3A_2 : vector<512x128xf32>
    %get3A_4 = arith.constant 0 : index
    %get3A_5 = arith.constant 0 : index
    %get3A_6 = vector.load %arg1[%get3A_4, %get3A_5] : memref<512x128xf32, #tpu.memory_space<vmem>>, vector<512x128xf32>
    %get3A_7 = arith.constant 0 : index
    %get3A_8 = arith.constant 0 : index
    %get3A_9 = vector.load %arg2[%get3A_7, %get3A_8] : memref<512x128xf32, #tpu.memory_space<vmem>>, vector<512x128xf32>
    %add3A = arith.addf %get3A_6, %get3A_9 : vector<512x128xf32>
    %jit3A = arith.constant 0.000000e+00 : f32
    %broadcast_in_dim3A = vector.broadcast %jit3A : f32 to vector<512x128xf32>
    %select_n3A = arith.select %gt3A_3, %add3A, %broadcast_in_dim3A : vector<512x128xi1>, vector<512x128xf32>
    %get3A_10 = arith.constant 0 : index
    %get3A_11 = arith.constant 0 : index
    %get3A_12 = vector.load %arg3[%get3A_10, %get3A_11] : memref<512x128xf32, #tpu.memory_space<vmem>>, vector<512x128xf32>
    %add3A_13 = arith.addf %select_n3A, %get3A_12 : vector<512x128xf32>
    %mul3A = arith.mulf %add3A_13, %get3A_1 : vector<512x128xf32>
    %get3A_14 = arith.constant 0 : index
    %get3A_15 = arith.constant 0 : index
    %get3A_16 = vector.load %arg5[%get3A_14, %get3A_15] : memref<1x128xf32, #tpu.memory_space<vmem>>, vector<1x128xf32>
    %add3A_17 = vector.broadcast %get3A_16 : vector<1x128xf32> to vector<512x128xf32>
    %add3A_18 = arith.addf %mul3A, %add3A_17 : vector<512x128xf32>
    %max3A = arith.constant 0.000000e+00 : f32
    %max3A_19 = vector.broadcast %max3A : f32 to vector<512x128xf32>
    %max3A_20 = arith.maximumf %add3A_18, %max3A_19 : vector<512x128xf32>
    %get3A_21 = arith.constant 0 : index
    %get3A_22 = arith.constant 0 : index
    %get3A_23 = vector.load %arg6[%get3A_21, %get3A_22] : memref<32x512xf32, #tpu.memory_space<vmem>>, vector<32x512xf32>
    %broadcast_in_dim3A_24 = arith.constant 1.000000e+00 : f32
    %broadcast_in_dim3A_25 = vector.broadcast %broadcast_in_dim3A_24 : f32 to vector<32x128xf32>
    %dot_general3A = arith.constant dense<0.000000e+00> : vector<512x128xf32>
    %dot_general3A_26 = tpu.matmul %get3A_23, %broadcast_in_dim3A_25, %dot_general3A {dimension_numbers = #tpu.dot_dimension_numbers<[0], [0], [1], [1], [0, 1, 1, 1], [], []>, precision = #tpu.contract_precision<fp32>, transpose_lhs_hint = false} : vector<32x512xf32>, vector<32x128xf32>, vector<512x128xf32> -> vector<512x128xf32>
    %add3A_27 = arith.addf %dot_general3A_26, %get3A_1 : vector<512x128xf32>
    %mul3A_28 = arith.mulf %get3A_1, %add3A_27 : vector<512x128xf32>
    %eq3A = arith.constant 0 : i32
    %eq3A_29 = arith.cmpi eq, %arg0, %eq3A : i32
    %convert_element_type3A = arith.extui %eq3A_29 : i1 to i32
    %cond3A = arith.constant 0 : i32
    %cond3A_30 = arith.cmpi ne, %convert_element_type3A, %cond3A : i32
    scf.if %cond3A_30 {
      %broadcast_in_dim3A_44 = arith.constant 0.000000e+00 : f32
      %broadcast_in_dim3A_45 = vector.broadcast %broadcast_in_dim3A_44 : f32 to vector<128x128xf32>
      %swap3A_46 = arith.constant 0 : index
      %swap3A_47 = arith.constant 0 : index
      %swap3A_48 = vector.load %arg9[%swap3A_46, %swap3A_47] : memref<128x128xf32, #tpu.memory_space<vmem>>, vector<128x128xf32>
      tpu.vector_store %arg9[%swap3A_46, %swap3A_47], %broadcast_in_dim3A_45 {strides = array<i32>} : memref<128x128xf32, #tpu.memory_space<vmem>>, vector<128x128xf32>,
    } else {
    }
    %get3A_31 = arith.constant 0 : index
    %get3A_32 = arith.constant 0 : index
    %get3A_33 = vector.load %arg9[%get3A_31, %get3A_32] : memref<128x128xf32, #tpu.memory_space<vmem>>, vector<128x128xf32>
    %dot_general3A_34 = arith.constant dense<0.000000e+00> : vector<128x128xf32>
    %dot_general3A_35 = tpu.matmul %mul3A_28, %max3A_20, %dot_general3A_34 {dimension_numbers = #tpu.dot_dimension_numbers<[0], [0], [1], [1], [0, 1, 1, 1], [], []>, precision = #tpu.contract_precision<fp32>, transpose_lhs_hint = false} : vector<512x128xf32>, vector<512x128xf32>, vector<128x128xf32> -> vector<128x128xf32>
    %add3A_36 = arith.addf %get3A_33, %dot_general3A_35 : vector<128x128xf32>
    %swap3A = arith.constant 0 : index
    %swap3A_37 = arith.constant 0 : index
    %swap3A_38 = vector.load %arg9[%swap3A, %swap3A_37] : memref<128x128xf32, #tpu.memory_space<vmem>>, vector<128x128xf32>
    tpu.vector_store %arg9[%swap3A, %swap3A_37], %add3A_36 {strides = array<i32>} : memref<128x128xf32, #tpu.memory_space<vmem>>, vector<128x128xf32>,
    %eq3A_39 = arith.constant 19 : i32
    %eq3A_40 = arith.cmpi eq, %arg0, %eq3A_39 : i32
    %convert_element_type3A_41 = arith.extui %eq3A_40 : i1 to i32
    %cond3A_42 = arith.constant 0 : i32
    %cond3A_43 = arith.cmpi ne, %convert_element_type3A_41, %cond3A_42 : i32
    scf.if %cond3A_43 {
      %get3A_44 = arith.constant 0 : index
      %get3A_45 = arith.constant 0 : index
      %get3A_46 = vector.load %arg9[%get3A_44, %get3A_45] : memref<128x128xf32, #tpu.memory_space<vmem>>, vector<1x128xf32>
      %mul3A_47 = arith.constant 9.99999974E-5 : f32
      %mul3A_48 = vector.broadcast %mul3A_47 : f32 to vector<1x128xf32>
      %mul3A_49 = arith.mulf %get3A_46, %mul3A_48 : vector<1x128xf32>
      %get3A_50 = arith.constant 0 : index
      %get3A_51 = arith.constant 0 : index
      %get3A_52 = vector.load %arg7[%get3A_50, %get3A_51] : memref<128x256xf32, #tpu.memory_space<vmem>>, vector<128x256xf32>
      %dot_general3A_53 = arith.constant dense<0.000000e+00> : vector<1x256xf32>
      %dot_general3A_54 = tpu.matmul %mul3A_49, %get3A_52, %dot_general3A_53 {dimension_numbers = #tpu.dot_dimension_numbers<[1], [0], [0], [1], [0, 0, 1, 1], [], []>, precision = #tpu.contract_precision<fp32>, transpose_lhs_hint = false} : vector<1x128xf32>, vector<128x256xf32>, vector<1x256xf32> -> vector<1x256xf32>
      %get3A_55 = arith.constant 0 : index
      %get3A_56 = arith.constant 0 : index
      %get3A_57 = vector.load %arg8[%get3A_55, %get3A_56] : memref<1x256xf32, #tpu.memory_space<vmem>>, vector<1x256xf32>
      %add3A_58 = arith.addf %dot_general3A_54, %get3A_57 : vector<1x256xf32>
      %swap3A_59 = arith.constant 0 : index
      %swap3A_60 = arith.constant 0 : index
      %swap3A_61 = vector.load %arg10[%swap3A_59, %swap3A_60] : memref<1x256xf32, #tpu.memory_space<vmem>>, vector<1x256xf32>
      tpu.vector_store %arg10[%swap3A_59, %swap3A_60], %add3A_58 {strides = array<i32>} : memref<1x256xf32, #tpu.memory_space<vmem>>, vector<1x256xf32>,
    } else {
    }
    return
  }
  func.func @transform_0(%arg0: i32) -> (i32, i32) {
    %c0_i32 = arith.constant 0 : i32
    %c0_i32_0 = arith.constant 0 : i32
    return %arg0, %c0_i32 : i32, i32
  }
  func.func @transform_1(%arg0: i32) -> (i32, i32) {
    %c0_i32 = arith.constant 0 : i32
    %c0_i32_0 = arith.constant 0 : i32
    return %arg0, %c0_i32 : i32, i32
  }
  func.func @transform_2(%arg0: i32) -> (i32, i32) {
    %c0_i32 = arith.constant 0 : i32
    %c0_i32_0 = arith.constant 0 : i32
    return %arg0, %c0_i32 : i32, i32
  }
  func.func @transform_3(%arg0: i32) -> (i32, i32) {
    %c0_i32 = arith.constant 0 : i32
    %c0_i32_0 = arith.constant 0 : i32
    return %arg0, %c0_i32 : i32, i32
  }
  func.func @transform_4(%arg0: i32) -> (i32, i32) {
    %c0_i32 = arith.constant 0 : i32
    %c0_i32_0 = arith.constant 0 : i32
    %c0_i32_1 = arith.constant 0 : i32
    return %c0_i32, %c0_i32_0 : i32, i32
  }
  func.func @transform_5(%arg0: i32) -> (i32, i32) {
    %c0_i32 = arith.constant 0 : i32
    %c0_i32_0 = arith.constant 0 : i32
    return %c0_i32, %arg0 : i32, i32
  }
  func.func @transform_6(%arg0: i32) -> (i32, i32) {
    %c0_i32 = arith.constant 0 : i32
    %c0_i32_0 = arith.constant 0 : i32
    %c0_i32_1 = arith.constant 0 : i32
    return %c0_i32, %c0_i32_0 : i32, i32
  }
  func.func @transform_7(%arg0: i32) -> (i32, i32) {
    %c0_i32 = arith.constant 0 : i32
    %c0_i32_0 = arith.constant 0 : i32
    %c0_i32_1 = arith.constant 0 : i32
    return %c0_i32, %c0_i32_0 : i32, i32
  }
  func.func @transform_8(%arg0: i32) -> (i32, i32) {
    %c0_i32 = arith.constant 0 : i32
    %c0_i32_0 = arith.constant 0 : i32
    %c0_i32_1 = arith.constant 0 : i32
    return %c0_i32, %c0_i32_0 : i32, i32
  }
  func.func @transform_9(%arg0: i32) -> (i32, i32) {
    %c0_i32 = arith.constant 0 : i32
    %c0_i32_0 = arith.constant 0 : i32
    %c0_i32_1 = arith.constant 0 : i32
    return %c0_i32, %c0_i32_0 : i32, i32
  }
}

</mosaic_0001>

<sc_bundles>
// kernel: kernel.10.cloned.1.call-start
scs
__scs_entry_jumppad:
0x0: {  	(pc) =	sbr.rel $0x88, $3  }
0x1: {  	(tag) =	ssettag $0x0;
	lr =	simm.s32 $0x1  }
0x2: {  	[smem:$0x3F98] =	sst lr;
	_ =	strace $0xD0000000  }
0x3: {  	_ = 	snop  }
0x4: {  	_ = 	snop  }
0x5: {  	_ = 	snop  }
0x6: {  	_ = 	snop  }
0x7: {  	_ = 	snop  }
__scs_overlays_trampoline_lowered:
0x8: {  	[smem:$0x3FA7] =	sst s0  }
0x9: {  	[smem:$0x3FA8] =	sst s1  }
0xa: {  	[smem:$0x3FA9] =	sst s2  }
0xb: {  	[smem:$0x3FAA] =	sst s3  }
0xc: {  	[smem:$0x3FAB] =	sst s4  }
0xd: {  	[smem:$0x3FAC] =	sst s5  }
0xe: {  	[smem:$0x3FAD] =	sst s6  }
0xf: {  	[smem:$0x3FAE] =	sst s7  }
0x10: {  	[smem:$0x3FAF] =	sst s8  }
0x11: {  	[smem:$0x3FB0] =	sst s9;
	s0 =	simm.s32 @!p0 $0x0  }
0x12: {  	s1 =	sld [smem:$0x3F96];
	s0 =	simm.s32 @p0 $0x1  }
0x13: {  	[smem:$0x3FB1] =	sst s0;
	s0 =	simm.s32 @!p1 $0x0  }
0x14: {  	s2 =	sld [smem:$0x3F95];
	s0 =	simm.s32 @p1 $0x1  }
0x15: {  	[smem:$0x3FB2] =	sst s0;
	s0 =	simm.s32 @!p2 $0x0  }
0x16: {  	s3 =	sld [smem:$0x3FDB];
	s0 =	simm.s32 @p2 $0x1  }
0x17: {  	s4 =	simm.s32 $0x1BF5;
	[smem:$0x3FB4] =	sst s0  }
0x18: {  	s0 =	sld [smem:$0x3F97];
	_ =	swait.ge [sflag:s4], $0x0  }
0x19: {  	s7 =	sld [smem:$0x3F98]  }
0x1a: {  	s8 =	sadd.s32 $0xFFFFE003, lr  }
0x1b: {  	s9 =	sadd.s32 $0xFFFFFEF7, lr;
	s5 =	simm.s32 $0xFFFFFFFF;
	p2 =	slt.u32 s8, $0xFFFFF086  }
0x1c: {  	p1 =	slt.u32 s9, $0xF7A;
	s5 =	simm.s32 @!p2 $0x0  }
0x1d: {  	s5 =	simm.s32 @p1 $0x1;
	p0 =	seq.s32 s7, s2  }
0x1e: {  	s7 =	smul.u32 @!p0 $0xF7A, s2;
	p2 =	seq.s32 @!p0 s5, $0x0  }
0x1f: {  	s9 =	smul.u32 $0xF7A, s1;
	s8 =	simm.s32 @!p0 $0x1BF5;
	p2 =	por !p2, p0  }
0x20: {  	[sflag:s8] =	ssyncset.s32 @!p0 $0xFFFFF086;
	s6 =	sadd.s32 @!p0 s3, s7;
	s7 =	simm.s32 @!p0 $0x108  }
0x21: {  	s3 =	sadd.s32 s3, s9;
	s6 =	sadd.s32 @!p0 $0x88, s6;
	s7 =	simm.s32 @p2 $0x1082  }
0x22: {  	[simem:s7], [sflag:s8] =	dma.local @!p0 [hbm:s6], $0xF7A  }
0x23: {  	s9 =	sor.u32 $0xD0000000, s2;
	s6 =	simm.s32 $0x108;
	_ =	swait.ge @!p0 [sflag:s8], $0x0  }
0x24: {  	s3 =	sadd.s32 $0x88, s3;
	s6 =	simm.s32 @!p1 $0x1082;
	[sflag:s4] =	ssyncset.s32 $0xFFFFF086  }
0x25: {  	[simem:s6], [sflag:s4] =	dma.local [hbm:s3], $0xF7A  }
0x26: {  	[smem:$0x3F98] =	sst s1;
	(tag) =	ssettag s2;
	_ =	strace s9  }
0x27: {  	s1 =	sld [smem:$0x3FA8]  }
0x28: {  	s2 =	sld [smem:$0x3FA9]  }
0x29: {  	s4 =	sld [smem:$0x3FAB]  }
0x2a: {  	p0 =	seq.s32 s5, $0x0;
	s5 =	sld [smem:$0x3FAC]  }
0x2b: {  	s6 =	sld [smem:$0x3FAD]  }
0x2c: {  	s7 =	sld [smem:$0x3FAE]  }
0x2d: {  	s3 =	simm.s32 $0x108;
	s8 =	sld [smem:$0x3FAF]  }
0x2e: {  	s3 =	simm.s32 @!p0 $0x1082;
	s9 =	sld [smem:$0x3FB0]  }
0x2f: {  	lr =	sadd.s32 s0, s3;
	s0 =	sld [smem:$0x3FA7]  }
0x30: {  	s3 =	sld [smem:$0x3FAA]  }
0x31: {  	[smem:$0x3FB3] =	sst s10  }
0x32: {  	s10 =	sld [smem:$0x3FB1];
	_ =	sdelay $0x3  }
0x33: {  	p0 =	seq.s32 s10, $0x1;
	s10 =	sld [smem:$0x3FB3];
	_ =	sdelay $0x3  }
0x34: {  	[smem:$0x3FB3] =	sst s10  }
0x35: {  	s10 =	sld [smem:$0x3FB2];
	_ =	sdelay $0x3  }
0x36: {  	p1 =	seq.s32 s10, $0x1;
	s10 =	sld [smem:$0x3FB3];
	_ =	sdelay $0x3  }
0x37: {  	[smem:$0x3FB3] =	sst s10  }
0x38: {  	s10 =	sld [smem:$0x3FB4]  }
0x39: {  	_ = 	snop;
	(pc) =	sbr.ind lr, $3  }
0x3a: {  	_ = 	snop  }
0x3b: {  	_ = 	snop  }
0x3c: {  	p2 =	seq.s32 s10, $0x1;
	s10 =	sld [smem:$0x3FB3]  }
0x3d: {  	_ =	shalt  }
0x3e: {  	_ =	shalt  }
0x3f: {  	_ =	shalt  }
0x40: {  	_ =	shalt  }
0x41: {  	_ =	shalt  }
0x42: {  	_ =	shalt  }
0x43: {  	_ =	shalt  }
0x44: {  	_ =	shalt  }
0x45: {  	_ =	shalt  }
0x46: {  	_ =	shalt  }
0x47: {  	_ =	shalt  }
0x48: {  	_ =	shalt  }
0x49: {  	_ =	shalt  }
0x4a: {  	_ =	shalt  }
0x4b: {  	_ =	shalt  }
0x4c: {  	_ =	shalt  }
0x4d: {  	_ =	shalt  }
0x4e: {  	_ =	shalt  }
0x4f: {  	_ =	shalt  }
0x50: {  	_ =	shalt  }
0x51: {  	_ =	shalt  }
0x52: {  	_ =	shalt  }
0x53: {  	_ =	shalt  }
0x54: {  	_ =	shalt  }
0x55: {  	_ =	shalt  }
0x56: {  	_ =	shalt  }
0x57: {  	_ =	shalt  }
0x58: {  	_ =	shalt  }
0x59: {  	_ =	shalt  }
0x5a: {  	_ =	shalt  }
0x5b: {  	_ =	shalt  }
0x5c: {  	_ =	shalt  }
0x5d: {  	_ =	shalt  }
0x5e: {  	_ =	shalt  }
0x5f: {  	_ =	shalt  }
0x60: {  	_ =	shalt  }
0x61: {  	_ =	shalt  }
0x62: {  	_ =	shalt  }
0x63: {  	_ =	shalt  }
0x64: {  	_ =	shalt  }
0x65: {  	_ =	shalt  }
0x66: {  	_ =	shalt  }
0x67: {  	_ =	shalt  }
0x68: {  	_ =	shalt  }
0x69: {  	_ =	shalt  }
0x6a: {  	_ =	shalt  }
0x6b: {  	_ =	shalt  }
0x6c: {  	_ =	shalt  }
0x6d: {  	_ =	shalt  }
0x6e: {  	_ =	shalt  }
0x6f: {  	_ =	shalt  }
0x70: {  	_ =	shalt  }
0x71: {  	_ =	shalt  }
0x72: {  	_ =	shalt  }
0x73: {  	_ =	shalt  }
0x74: {  	_ =	shalt  }
0x75: {  	_ =	shalt  }
0x76: {  	_ =	shalt  }
0x77: {  	_ =	shalt  }
0x78: {  	_ =	shalt  }
0x79: {  	_ =	shalt  }
0x7a: {  	_ =	shalt  }
0x7b: {  	_ =	shalt  }
0x7c: {  	_ =	shalt  }
0x7d: {  	_ =	shalt  }
0x7e: {  	_ =	shalt  }
0x7f: {  	_ =	shalt  }
0x80: {  	_ =	shalt  }
0x81: {  	_ =	shalt  }
0x82: {  	_ =	shalt  }
0x83: {  	_ =	shalt  }
0x84: {  	_ =	shalt  }
0x85: {  	_ =	shalt  }
0x86: {  	_ =	shalt  }
0x87: {  	_ =	shalt  }
.Lfunc_end0:
.L_simem_size_0:
called_computation_lowered:
.L_overlay_start_0:
0x88: {  	s2 =	sld [smem:$0x3FD9]  }
0x89: {  	s3 =	sld [smem:$0x3FFE];
	_ =	sdelay $0x1  }
0x8a: {  	s1 =	srdreg.scid  }
0x8b: {  	s0 =	sand.u32 $0x1, s1  }
0x8c: {  	s16 =	sshll.u32 s0, $0xA;
	s2 =	sadd.s32 s3, s2  }
0x8d: {  	s2 =	sadd.s32 s2, s16  }
0x8e: {  	[smem:$0x3FBF] =	sst s2  }
0x8f: {  	_ = 	snop  }
0x90: {  	(tm) =	ssettm $0x1  }
0x91: {  	s17 =	sld [smem:$0x3FFB];
	_ =	sdelay $0x3  }
0x92: {  	_ =	strace s17  }
0x93: {  	s2 =	sld [smem:$0x3FFC];
	_ =	sdelay $0x3  }
0x94: {  	_ =	strace s2  }
0x95: {  	s2 =	sld [smem:$0x3FFD];
	_ =	sdelay $0x3  }
0x96: {  	_ =	strace s2  }
0x97: {  	_ =	strace $0x8FFFFFFF  }
0x98: {  	s18 =	sld [smem:$0x3FDB];
	_ =	sdelay $0x1  }
0x99: {  	s19 =	simm.s32 $_scs_section_size  }
0x9a: {  	s4 =	simm.s32 $_size__tile_overlayer_lowered;
	s5 =	simm.s32 $_tile_overlayer_lowered  }
0x9b: {  	s22 =	simm.s32 $0x1BFF;
	s21 =	sshll.u32 s5, $0x1;
	s2 =	sadd.s32 s19, s18  }
0x9c: {  	s6 =	simm.s32 $0x0;
	s20 =	sshll.u32 s4, $0x1;
	s4 =	sadd.s32 s21, s2  }
0x9d: {  	[timem:s6], [sflag:s22] =	dma.local [hbm:s4], s20  }
0x9e: {  	_ =	swait.ge [sflag:s22], s20  }
0x9f: {  	s3 =	ssub.s32 $0x0, s20;
	[sflag:s22] =	ssyncset.done $0x0  }
0xa0: {  	[sflag:s22] =	ssyncadd.s32 s3;
	_ =	sdelay $0x1  }
0xa1: {  	s23 =	simm.s32 $0x1B8B  }
0xa2: {  	_ =	swait.ge [sflag:s23], $0x1  }
0xa3: {  	[sflag:s23] =	ssyncset.done $0x0  }
0xa4: {  	s25 =	simm.s32 $0x1B8E;
	s24 =	sld [smem:$0x3FFE];
	[sflag:s23] =	ssyncadd.s32 $0xFFFFFFFF  }
0xa5: {  	s26 =	simm.s32 $execute0_lowered;
	[smem:$0x3FD2] =	sst s25  }
0xa6: {  	s4 =	sshll.u32 s26, $0x1;
	_ =	strace $0x80000046;
	[dreg:$0x1] =	wrdreg $0xFFFFFFFF  }
0xa7: {  	s28 =	simm.s32 $_size_execute0_lowered;
	s2 =	sadd.s32 s2, s4;
	[dreg:$0x0] =	wrdreg $0x0  }
0xa8: {  	s4 =	sshll.u32 s28, $0x1;
	[dreg:$0x2] =	wrdreg s2  }
0xa9: {  	[dreg:$0x3] =	wrdreg s4  }
0xaa: {  	[dreg:$0x4] =	wrdreg $0xC0  }
0xab: {  	_ =	task [dreg:s6], $0x5FFFF  }
0xac: {  	[dreg:$0x1] =	wrdreg $0xFFFFFFFF  }
0xad: {  	[dreg:$0x0] =	wrdreg $0x60  }
0xae: {  	[dreg:$0x2] =	wrdreg s24  }
0xaf: {  	[dreg:$0x3] =	wrdreg $0x9  }
0xb0: {  	_ =	task.clear_ibuf [dreg:s6], $0x4FFFF;
	_ =	strace $0x90000046  }
0xb1: {  	s29 =	simm.s32 $0x9;
	_ =	strace $0x80000048  }
0xb2: {  	_ =	swait.ge [sflag:s29], $0x1  }
0xb3: {  	[sflag:s29] =	ssyncadd.s32 $0xFFFFFFFF  }
0xb4: {  	_ =	strace $0x90000048  }
0xb5: {  	_ =	sfence  }
0xb6: {  	s30 =	sld [smem:$0x0];
	_ =	sdelay $0x2  }
0xb7: {  	s31 =	sshll.u32 s1, $0xD;
	s1 =	sshrl.u32 s1, $0x2  }
0xb8: {  	s3 =	sand.u32 $0x4000, s31;
	s1 =	sadd.s32 s1, s30  }
0xb9: {  	s0 =	sor.u32 s3, s0;
	s1 =	sshll.u32 s1, $0x11  }
0xba: {  	s0 =	sor.u32 s1, s0  }
0xbb: {  	s0 =	sadd.s32 $0x8F2B, s0  }
0xbc: {  	[sflag:s0] =	ssyncadd.remote.s32 $0x1  }
0xbd: {  	_ =	sfence.sel $0xFFFF  }
0xbe: {  	[dreg:$0x0] =	wrdreg $0xFFFFFFFF;
	(pc) =	sbr.abs _section_cstart, $3  }
0xbf: {  	[dreg:$0x1] =	wrdreg $0xFFFFFFFF  }
0xc0: {  	_ =	task.clear_ibuf [dreg:s6], $0x2FFFF;
	_ =	strace $0x9FFFFFFF  }
0xc1: {  	(tm) =	ssettm $0x7FFFFFFF  }
tec
execute0_lowered:
.L_overlay_start_1:
0x0: {  	(tag) =	ssettag $0x1  }
0x1: {  	s3 =	rddreg [dreg:$0x0]  }
0x2: {  	s0 =	rddreg [dreg:$0x1]  }
0x3: {  	s4 =	srdreg.scid;
	s2 =	simm.s32 $0x0;
	s1 =	stileid.u32  }
0x4: {  	s10 =	simm.s32 $0x0;
	s4 =	sand.u32 $0x1, s4;
	s5 =	sshrl.u32 s1, $0x2  }
0x5: {  	s6 =	sshll.u32 s1, $0x8;
	[smem:$0x7FF] =	sst s2;
	s28 =	smul.u32 $0x500, s1  }
0x6: {  	s7 =	sshll.u32 s4, $0x7;
	s5 =	smul.u32 $0x14000, s5;
	_ =	strace $0x80000047  }
0x7: {  	s29 =	ssub.s32 $0x2, s4;
	s9 =	smul.u32 $0x280, s4;
	s6 =	sor.u32 s7, s6  }
0x8: {  	s8 =	sshrl.u32 s29, $0x1;
	s7 =	sadd.s32 s28, s3;
	s6 =	sand.u32 $0x380, s6  }
0x9: {  	s30 =	ssub.s32 s29, s8;
	s31 =	sadd.s32 s9, s7;
	s5 =	sor.u32 s5, s6  }
0xa: {  	s7 =	simm.s32 $0x1;
	s8 =	simm.s32 $0x80;
	s5 =	sshrl.u32 s5, $0x3  }
0xb: {  	s9 =	simm.s32 $0x400;
	s4 =	smax.u32 s30, $0x1;
	s3 =	sadd.s32 s5, s3  }
0xc: {  	v0 =	vimm.f32 $0.0e+00;
	v1 =	vimm.f32 $1.000000000e+00;
	s6 =	simm.s32 $0x2800;
	s5 =	sadd.s32 $0x2A00, s31;
	s3 =	sadd.s32 $0x7A00, s3  }
.LBB2_1:
0xd: {  	s11 =	simm.s32 $0x0  }
.LBB2_2:
0xe: {  	p0 =	sne.s32 s11, $0x9FC0  }
.Ltmp0:
0xf: {  	_ = 	snop;
	(pc) =	sbr.rel @p0 .LBB2_2-.Ltmp0, $3  }
0x10: {  	_ =	sdelay $0x1  }
0x11: {  	s12 =	sshra.s32 s11, $0x2  }
0x12: {  	s11 =	sadd.s32 $0x40, s11;
	[tilespmem:s12+$0x0] =	vst v0  }
0x13: {  	s11 =	simm.s32 $0x0  }
.LBB2_4:
0x14: {  	s12 =	sadd.s32 s11, s5  }
0x15: {  	[tilespmem:s6], [sflag:$0x1] =	stream.linear.gather [hbm4b:s12+s2], $0x80, $0x38;
	[tilespmem:$0x2880] =	vst v63  }
0x16: {  	_ =	swait.ge [sflag:s7], $0x80  }
0x17: {  	[sflag:s7] =	ssyncset.done $0x0  }
0x18: {  	[sflag:s7] =	ssyncadd.s32 $0xFFFFFF80  }
0x19: {  	v2 =	vld [tilespmem:$0x2800];
	_ =	sdelay $0x7  }
0x1a: {  	[tilespmem:v2+s2+$0x0] =	vst.idx.add.f32.msk $0xffff, v1  }
0x1b: {  	v2 =	vld [tilespmem:$0x2810];
	_ =	sdelay $0x7  }
0x1c: {  	[tilespmem:v2+s2+$0x0] =	vst.idx.add.f32.msk $0xffff, v1  }
0x1d: {  	v2 =	vld [tilespmem:$0x2820];
	_ =	sdelay $0x7  }
0x1e: {  	[tilespmem:v2+s2+$0x0] =	vst.idx.add.f32.msk $0xffff, v1  }
0x1f: {  	v2 =	vld [tilespmem:$0x2830];
	_ =	sdelay $0x7  }
0x20: {  	[tilespmem:v2+s2+$0x0] =	vst.idx.add.f32.msk $0xffff, v1  }
0x21: {  	v2 =	vld [tilespmem:$0x2840];
	_ =	sdelay $0x7  }
0x22: {  	[tilespmem:v2+s2+$0x0] =	vst.idx.add.f32.msk $0xffff, v1  }
0x23: {  	v2 =	vld [tilespmem:$0x2850];
	_ =	sdelay $0x7  }
0x24: {  	[tilespmem:v2+s2+$0x0] =	vst.idx.add.f32.msk $0xffff, v1  }
0x25: {  	v2 =	vld [tilespmem:$0x2860];
	_ =	sdelay $0x7  }
0x26: {  	[tilespmem:v2+s2+$0x0] =	vst.idx.add.f32.msk $0xffff, v1  }
0x27: {  	v2 =	vld [tilespmem:$0x2870];
	_ =	sdelay $0x2  }
0x28: {  	p0 =	sne.s32 s11, $0x270  }
.Ltmp1:
0x29: {  	_ = 	snop;
	(pc) =	sbr.rel @p0 .LBB2_4-.Ltmp1, $2  }
0x2a: {  	_ =	sdelay $0x2  }
0x2b: {  	s11 =	sadd.s32 $0x10, s11;
	[tilespmem:v2+s2+$0x0] =	vst.idx.add.f32.msk $0xffff, v1  }
0x2c: {  	s10 =	sadd.s32 $0x1, s10  }
0x2d: {  	p0 =	sne.s32 s10, s4  }
.Ltmp2:
0x2e: {  	_ = 	snop;
	(pc) =	sbr.rel @p0 .LBB2_1-.Ltmp2, $4  }
0x2f: {  	[hbm4b:s3+s8] =	stream.strided.scatter [tilespmem:s2], [sflag:$0x1], $0x2800, s9, s8, $0x38;
	[tilespmem:$0x2880] =	vst v63  }
0x30: {  	_ =	swait.ge [sflag:s7], $0x2800  }
0x31: {  	[sflag:s7] =	ssyncset.done $0x0  }
0x32: {  	[sflag:s7] =	ssyncadd.s32 $0xFFFFD800  }
0x33: {  	_ =	sfence.sel $0x180000  }
0x34: {  	[bflag:$0x0] =	sbarrier.arrive $0xFFFF  }
0x35: {  	p0 =	sne.s32 s1, $0x0;
	_ =	strace $0x90000047  }
0x36: {  	s0 =	sadd.s32 @!p0 $0x100000, s0;
	[bflag:$0x2] =	sbarrier.arrive $0xFFFF  }
0x37: {  	[sflag:s0] =	ssyncadd.tile.s32 @!p0 $0x1;
	_ =	shalt  }
.Lfunc_end2:
_tile_overlayer_lowered:
.L_overlay_start_2:
0x38: {  	(tag) =	ssettag $0x2  }
0x39: {  	s0 =	rddreg [dreg:$0x0];
	s2 =	stileid.u32  }
0x3a: {  	s1 =	rddreg [dreg:$0x1];
	p0 =	sne.s32 s2, $0x0  }
0x3b: {  	s3 =	rddreg [dreg:$0x2];
	[bflag:$0x3] =	sbarrier.arrive $0xFFFF;
	s2 =	simm.s32 @!p0 $0x1C01  }
0x3c: {  	[timem:s3], [sflag:s2] =	dma.local @!p0 [hbm:s0], s1  }
0x3d: {  	s0 =	simm.s32 @!p0 $0x1  }
0x3e: {  	_ =	swait.ge @!p0 [sflag:s0], s1  }
0x3f: {  	s1 =	ssub.s32 @!p0 $0x0, s1;
	[sflag:s0] =	ssyncset.done @!p0 $0x0  }
0x40: {  	[sflag:s0] =	ssyncadd.s32 @!p0 s1  }
0x41: {  	[bflag:$0x3] =	sbarrier.arrive $0xFFFF  }
0x42: {  	_ =	shalt  }

// kernel: kernel.13.cloned.1.call-start
scs
__scs_entry_jumppad:
0x0: {  	(pc) =	sbr.rel $0x88, $3  }
0x1: {  	(tag) =	ssettag $0x0;
	lr =	simm.s32 $0x1  }
0x2: {  	[smem:$0x3F98] =	sst lr;
	_ =	strace $0xD0000000  }
0x3: {  	_ = 	snop  }
0x4: {  	_ = 	snop  }
0x5: {  	_ = 	snop  }
0x6: {  	_ = 	snop  }
0x7: {  	_ = 	snop  }
__scs_overlays_trampoline_lowered:
0x8: {  	[smem:$0x3FA7] =	sst s0  }
0x9: {  	[smem:$0x3FA8] =	sst s1  }
0xa: {  	[smem:$0x3FA9] =	sst s2  }
0xb: {  	[smem:$0x3FAA] =	sst s3  }
0xc: {  	[smem:$0x3FAB] =	sst s4  }
0xd: {  	[smem:$0x3FAC] =	sst s5  }
0xe: {  	[smem:$0x3FAD] =	sst s6  }
0xf: {  	[smem:$0x3FAE] =	sst s7  }
0x10: {  	[smem:$0x3FAF] =	sst s8  }
0x11: {  	[smem:$0x3FB0] =	sst s9;
	s0 =	simm.s32 @!p0 $0x0  }
0x12: {  	s1 =	sld [smem:$0x3F96];
	s0 =	simm.s32 @p0 $0x1  }
0x13: {  	[smem:$0x3FB1] =	sst s0;
	s0 =	simm.s32 @!p1 $0x0  }
0x14: {  	s2 =	sld [smem:$0x3F95];
	s0 =	simm.s32 @p1 $0x1  }
0x15: {  	[smem:$0x3FB2] =	sst s0;
	s0 =	simm.s32 @!p2 $0x0  }
0x16: {  	s3 =	sld [smem:$0x3FDB];
	s0 =	simm.s32 @p2 $0x1  }
0x17: {  	s4 =	simm.s32 $0x1BF5;
	[smem:$0x3FB4] =	sst s0  }
0x18: {  	s0 =	sld [smem:$0x3F97];
	_ =	swait.ge [sflag:s4], $0x0  }
0x19: {  	s7 =	sld [smem:$0x3F98]  }
0x1a: {  	s8 =	sadd.s32 $0xFFFFE003, lr  }
0x1b: {  	s9 =	sadd.s32 $0xFFFFFEF7, lr;
	s5 =	simm.s32 $0xFFFFFFFF;
	p2 =	slt.u32 s8, $0xFFFFF086  }
0x1c: {  	p1 =	slt.u32 s9, $0xF7A;
	s5 =	simm.s32 @!p2 $0x0  }
0x1d: {  	s5 =	simm.s32 @p1 $0x1;
	p0 =	seq.s32 s7, s2  }
0x1e: {  	s7 =	smul.u32 @!p0 $0xF7A, s2;
	p2 =	seq.s32 @!p0 s5, $0x0  }
0x1f: {  	s9 =	smul.u32 $0xF7A, s1;
	s8 =	simm.s32 @!p0 $0x1BF5;
	p2 =	por !p2, p0  }
0x20: {  	[sflag:s8] =	ssyncset.s32 @!p0 $0xFFFFF086;
	s6 =	sadd.s32 @!p0 s3, s7;
	s7 =	simm.s32 @!p0 $0x108  }
0x21: {  	s3 =	sadd.s32 s3, s9;
	s6 =	sadd.s32 @!p0 $0x88, s6;
	s7 =	simm.s32 @p2 $0x1082  }
0x22: {  	[simem:s7], [sflag:s8] =	dma.local @!p0 [hbm:s6], $0xF7A  }
0x23: {  	s9 =	sor.u32 $0xD0000000, s2;
	s6 =	simm.s32 $0x108;
	_ =	swait.ge @!p0 [sflag:s8], $0x0  }
0x24: {  	s3 =	sadd.s32 $0x88, s3;
	s6 =	simm.s32 @!p1 $0x1082;
	[sflag:s4] =	ssyncset.s32 $0xFFFFF086  }
0x25: {  	[simem:s6], [sflag:s4] =	dma.local [hbm:s3], $0xF7A  }
0x26: {  	[smem:$0x3F98] =	sst s1;
	(tag) =	ssettag s2;
	_ =	strace s9  }
0x27: {  	s1 =	sld [smem:$0x3FA8]  }
0x28: {  	s2 =	sld [smem:$0x3FA9]  }
0x29: {  	s4 =	sld [smem:$0x3FAB]  }
0x2a: {  	p0 =	seq.s32 s5, $0x0;
	s5 =	sld [smem:$0x3FAC]  }
0x2b: {  	s6 =	sld [smem:$0x3FAD]  }
0x2c: {  	s7 =	sld [smem:$0x3FAE]  }
0x2d: {  	s3 =	simm.s32 $0x108;
	s8 =	sld [smem:$0x3FAF]  }
0x2e: {  	s3 =	simm.s32 @!p0 $0x1082;
	s9 =	sld [smem:$0x3FB0]  }
0x2f: {  	lr =	sadd.s32 s0, s3;
	s0 =	sld [smem:$0x3FA7]  }
0x30: {  	s3 =	sld [smem:$0x3FAA]  }
0x31: {  	[smem:$0x3FB3] =	sst s10  }
0x32: {  	s10 =	sld [smem:$0x3FB1];
	_ =	sdelay $0x3  }
0x33: {  	p0 =	seq.s32 s10, $0x1;
	s10 =	sld [smem:$0x3FB3];
	_ =	sdelay $0x3  }
0x34: {  	[smem:$0x3FB3] =	sst s10  }
0x35: {  	s10 =	sld [smem:$0x3FB2];
	_ =	sdelay $0x3  }
0x36: {  	p1 =	seq.s32 s10, $0x1;
	s10 =	sld [smem:$0x3FB3];
	_ =	sdelay $0x3  }
0x37: {  	[smem:$0x3FB3] =	sst s10  }
0x38: {  	s10 =	sld [smem:$0x3FB4]  }
0x39: {  	_ = 	snop;
	(pc) =	sbr.ind lr, $3  }
0x3a: {  	_ = 	snop  }
0x3b: {  	_ = 	snop  }
0x3c: {  	p2 =	seq.s32 s10, $0x1;
	s10 =	sld [smem:$0x3FB3]  }
0x3d: {  	_ =	shalt  }
0x3e: {  	_ =	shalt  }
0x3f: {  	_ =	shalt  }
0x40: {  	_ =	shalt  }
0x41: {  	_ =	shalt  }
0x42: {  	_ =	shalt  }
0x43: {  	_ =	shalt  }
0x44: {  	_ =	shalt  }
0x45: {  	_ =	shalt  }
0x46: {  	_ =	shalt  }
0x47: {  	_ =	shalt  }
0x48: {  	_ =	shalt  }
0x49: {  	_ =	shalt  }
0x4a: {  	_ =	shalt  }
0x4b: {  	_ =	shalt  }
0x4c: {  	_ =	shalt  }
0x4d: {  	_ =	shalt  }
0x4e: {  	_ =	shalt  }
0x4f: {  	_ =	shalt  }
0x50: {  	_ =	shalt  }
0x51: {  	_ =	shalt  }
0x52: {  	_ =	shalt  }
0x53: {  	_ =	shalt  }
0x54: {  	_ =	shalt  }
0x55: {  	_ =	shalt  }
0x56: {  	_ =	shalt  }
0x57: {  	_ =	shalt  }
0x58: {  	_ =	shalt  }
0x59: {  	_ =	shalt  }
0x5a: {  	_ =	shalt  }
0x5b: {  	_ =	shalt  }
0x5c: {  	_ =	shalt  }
0x5d: {  	_ =	shalt  }
0x5e: {  	_ =	shalt  }
0x5f: {  	_ =	shalt  }
0x60: {  	_ =	shalt  }
0x61: {  	_ =	shalt  }
0x62: {  	_ =	shalt  }
0x63: {  	_ =	shalt  }
0x64: {  	_ =	shalt  }
0x65: {  	_ =	shalt  }
0x66: {  	_ =	shalt  }
0x67: {  	_ =	shalt  }
0x68: {  	_ =	shalt  }
0x69: {  	_ =	shalt  }
0x6a: {  	_ =	shalt  }
0x6b: {  	_ =	shalt  }
0x6c: {  	_ =	shalt  }
0x6d: {  	_ =	shalt  }
0x6e: {  	_ =	shalt  }
0x6f: {  	_ =	shalt  }
0x70: {  	_ =	shalt  }
0x71: {  	_ =	shalt  }
0x72: {  	_ =	shalt  }
0x73: {  	_ =	shalt  }
0x74: {  	_ =	shalt  }
0x75: {  	_ =	shalt  }
0x76: {  	_ =	shalt  }
0x77: {  	_ =	shalt  }
0x78: {  	_ =	shalt  }
0x79: {  	_ =	shalt  }
0x7a: {  	_ =	shalt  }
0x7b: {  	_ =	shalt  }
0x7c: {  	_ =	shalt  }
0x7d: {  	_ =	shalt  }
0x7e: {  	_ =	shalt  }
0x7f: {  	_ =	shalt  }
0x80: {  	_ =	shalt  }
0x81: {  	_ =	shalt  }
0x82: {  	_ =	shalt  }
0x83: {  	_ =	shalt  }
0x84: {  	_ =	shalt  }
0x85: {  	_ =	shalt  }
0x86: {  	_ =	shalt  }
0x87: {  	_ =	shalt  }
.Lfunc_end0:
.L_simem_size_0:
called_computation.1_lowered:
.L_overlay_start_0:
0x88: {  	s2 =	sld [smem:$0x3FD9]  }
0x89: {  	s3 =	sld [smem:$0x3FFE];
	_ =	sdelay $0x1  }
0x8a: {  	s1 =	srdreg.scid  }
0x8b: {  	s0 =	sand.u32 $0x1, s1  }
0x8c: {  	s16 =	sshll.u32 s0, $0xA;
	s2 =	sadd.s32 s3, s2  }
0x8d: {  	s2 =	sadd.s32 s2, s16  }
0x8e: {  	[smem:$0x3FBF] =	sst s2  }
0x8f: {  	_ = 	snop  }
0x90: {  	(tm) =	ssettm $0x1  }
0x91: {  	s17 =	sld [smem:$0x3FFB];
	_ =	sdelay $0x3  }
0x92: {  	_ =	strace s17  }
0x93: {  	s2 =	sld [smem:$0x3FFC];
	_ =	sdelay $0x3  }
0x94: {  	_ =	strace s2  }
0x95: {  	s2 =	sld [smem:$0x3FFD];
	_ =	sdelay $0x3  }
0x96: {  	_ =	strace s2  }
0x97: {  	_ =	strace $0x8FFFFFFF  }
0x98: {  	s18 =	sld [smem:$0x3FDB];
	_ =	sdelay $0x1  }
0x99: {  	s19 =	simm.s32 $_scs_section_size  }
0x9a: {  	s4 =	simm.s32 $_size__tile_overlayer_lowered;
	s5 =	simm.s32 $_tile_overlayer_lowered  }
0x9b: {  	s22 =	simm.s32 $0x1BFF;
	s21 =	sshll.u32 s5, $0x1;
	s2 =	sadd.s32 s19, s18  }
0x9c: {  	s6 =	simm.s32 $0x0;
	s20 =	sshll.u32 s4, $0x1;
	s4 =	sadd.s32 s21, s2  }
0x9d: {  	[timem:s6], [sflag:s22] =	dma.local [hbm:s4], s20  }
0x9e: {  	_ =	swait.ge [sflag:s22], s20  }
0x9f: {  	s3 =	ssub.s32 $0x0, s20;
	[sflag:s22] =	ssyncset.done $0x0  }
0xa0: {  	[sflag:s22] =	ssyncadd.s32 s3;
	_ =	sdelay $0x1  }
0xa1: {  	s23 =	simm.s32 $0x1B8B  }
0xa2: {  	_ =	swait.ge [sflag:s23], $0x1  }
0xa3: {  	[sflag:s23] =	ssyncset.done $0x0  }
0xa4: {  	s25 =	simm.s32 $0x1B8E;
	s24 =	sld [smem:$0x3FFE];
	[sflag:s23] =	ssyncadd.s32 $0xFFFFFFFF  }
0xa5: {  	s26 =	simm.s32 $execute0_lowered;
	[smem:$0x3FD2] =	sst s25  }
0xa6: {  	s4 =	sshll.u32 s26, $0x1;
	_ =	strace $0x80000049;
	[dreg:$0x1] =	wrdreg $0xFFFFFFFF  }
0xa7: {  	s28 =	simm.s32 $_size_execute0_lowered;
	s2 =	sadd.s32 s2, s4;
	[dreg:$0x0] =	wrdreg $0x0  }
0xa8: {  	s4 =	sshll.u32 s28, $0x1;
	[dreg:$0x2] =	wrdreg s2  }
0xa9: {  	[dreg:$0x3] =	wrdreg s4  }
0xaa: {  	[dreg:$0x4] =	wrdreg $0xC0  }
0xab: {  	_ =	task [dreg:s6], $0x5FFFF  }
0xac: {  	[dreg:$0x1] =	wrdreg $0xFFFFFFFF  }
0xad: {  	[dreg:$0x0] =	wrdreg $0x60  }
0xae: {  	[dreg:$0x2] =	wrdreg s24  }
0xaf: {  	[dreg:$0x3] =	wrdreg $0x7A000  }
0xb0: {  	[dreg:$0x4] =	wrdreg $0x9  }
0xb1: {  	_ =	task.clear_ibuf [dreg:s6], $0x5FFFF;
	_ =	strace $0x90000049  }
0xb2: {  	s29 =	simm.s32 $0x9;
	_ =	strace $0x8000004B  }
0xb3: {  	_ =	swait.ge [sflag:s29], $0x1  }
0xb4: {  	[sflag:s29] =	ssyncadd.s32 $0xFFFFFFFF  }
0xb5: {  	_ =	strace $0x9000004B  }
0xb6: {  	_ =	sfence  }
0xb7: {  	s30 =	sld [smem:$0x0];
	_ =	sdelay $0x2  }
0xb8: {  	s31 =	sshll.u32 s1, $0xD;
	s1 =	sshrl.u32 s1, $0x2  }
0xb9: {  	s3 =	sand.u32 $0x4000, s31;
	s1 =	sadd.s32 s1, s30  }
0xba: {  	s0 =	sor.u32 s3, s0;
	s1 =	sshll.u32 s1, $0x11  }
0xbb: {  	s0 =	sor.u32 s1, s0  }
0xbc: {  	s0 =	sadd.s32 $0x8F2B, s0  }
0xbd: {  	[sflag:s0] =	ssyncadd.remote.s32 $0x1  }
0xbe: {  	_ =	sfence.sel $0xFFFF  }
0xbf: {  	[dreg:$0x0] =	wrdreg $0xFFFFFFFF;
	(pc) =	sbr.abs _section_cstart, $3  }
0xc0: {  	[dreg:$0x1] =	wrdreg $0xFFFFFFFF  }
0xc1: {  	_ =	task.clear_ibuf [dreg:s6], $0x2FFFF;
	_ =	strace $0x9FFFFFFF  }
0xc2: {  	(tm) =	ssettm $0x7FFFFFFF  }
0xc3: {  	_ =	shalt  }
tec
execute0_lowered:
.L_overlay_start_1:
0x0: {  	(tag) =	ssettag $0x1  }
0x1: {  	s6 =	rddreg [dreg:$0x0]  }
0x2: {  	s2 =	rddreg [dreg:$0x1]  }
0x3: {  	s0 =	rddreg [dreg:$0x2];
	s3 =	simm.s32 $0x0;
	s1 =	stileid.u32  }
0x4: {  	s5 =	srdreg.scid;
	s16 =	simm.s32 $0x7800;
	s17 =	simm.s32 $0x7880  }
0x5: {  	s18 =	simm.s32 $0x5000;
	s19 =	simm.s32 $0x80;
	s20 =	simm.s32 $0x7900  }
0x6: {  	s21 =	simm.s32 $0x7980;
	s22 =	simm.s32 $0x400;
	s4 =	smul.u32 $0x500, s1  }
0x7: {  	s23 =	simm.s32 $0x20;
	[smem:$0x7FF] =	sst s3;
	s7 =	smul.u32 $0x14000, s1  }
0x8: {  	s8 =	sand.u32 $0x1, s5;
	s10 =	smul.u32 $0x28000, s1;
	s12 =	sshrl.u32 s1, $0x2  }
0x9: {  	s13 =	sshll.u32 s1, $0x8;
	s5 =	sadd.s32 $0x16A00, s6;
	s31 =	sshll.u32 s1, $0x6  }
0xa: {  	_ =	strace $0x8000004A;
	s11 =	sshll.u32 s8, $0x7;
	s12 =	smul.u32 $0x14000, s12  }
0xb: {  	s26 =	ssub.s32 $0x2, s8;
	s29 =	smul.u32 $0x280, s8;
	s9 =	sadd.s32 s4, s6  }
0xc: {  	s4 =	sadd.s32 $0x7A00, s6;
	s13 =	sor.u32 s11, s13;
	s14 =	sshrl.u32 s7, $0x3  }
0xd: {  	s10 =	sor.u32 s11, s10;
	s28 =	sshrl.u32 s26, $0x1;
	s15 =	sadd.s32 s7, s2  }
0xe: {  	s24 =	sand.u32 $0x380, s13;
	s25 =	sadd.s32 s14, s6;
	s10 =	sshrl.u32 s10, $0x3  }
0xf: {  	s30 =	sadd.s32 s29, s9;
	s13 =	simm.s32 $0x2800;
	s14 =	sor.u32 $0x1C01, s31  }
0x10: {  	s15 =	sshrl.u32 s15, $0x3;
	s11 =	sor.u32 s12, s24;
	s10 =	sadd.s32 s10, s6  }
0x11: {  	s12 =	ssub.s32 s26, s28;
	s24 =	simm.s32 $0x10;
	s11 =	sshrl.u32 s11, $0x3  }
0x12: {  	s8 =	sadd.s32 $0x67000, s10;
	s9 =	smax.u32 s12, $0x1;
	s10 =	sadd.s32 $0x2A00, s30  }
0x13: {  	s12 =	simm.s32 $0x1;
	s11 =	sadd.s32 s11, s6;
	s6 =	sadd.s32 $0x3F000, s25  }
0x14: {  	v0 =	vimm.f32 $0.0e+00;
	s25 =	simm.s32 $0x0;
	s7 =	sadd.s32 $0xB7000, s11;
	s11 =	sadd.s32 $0x11A00, s30  }
.LBB2_1:
0x15: {  	[tilespmem:s3], [sflag:$0x1] =	stream.linear.gather [hbm4b:s4+s3], $0x2800, $0x38;
	[tilespmem:$0x1BA00] =	vst v63  }
0x16: {  	_ =	swait.ge [sflag:s12], $0x2800  }
0x17: {  	[sflag:s12] =	ssyncset.done $0x0  }
0x18: {  	[sflag:s12] =	ssyncadd.s32 $0xFFFFD800  }
0x19: {  	[tilespmem:s13], [sflag:$0x1] =	stream.linear.gather [hbm4b:s5+s3], $0x2800, $0x38;
	[tilespmem:$0x1BA00] =	vst v63  }
0x1a: {  	_ =	swait.ge [sflag:s12], $0x2800  }
0x1b: {  	[sflag:s12] =	ssyncset.done $0x0  }
0x1c: {  	[sflag:s12] =	ssyncadd.s32 $0xFFFFD800  }
0x1d: {  	[spmem:s15], [sflag:s14] =	dma.local [hbm:s6], $0x2800  }
0x1e: {  	_ =	swait.ge [sflag:s12], $0x2800  }
0x1f: {  	[sflag:s12] =	ssyncset.done $0x0  }
0x20: {  	s26 =	simm.s32 $0x40;
	s28 =	simm.s32 $0x0;
	[sflag:s12] =	ssyncadd.s32 $0xFFFFD800  }
.LBB2_2:
0x21: {  	p0 =	sne.s32 s26, $0x9FC0;
	[tilespmem:s28+$0x5000] =	vst v0;
	s28 =	smov.u32 s26;
	s26 =	sadd.s32 $0x40, s26  }
.Ltmp0:
0x22: {  	(pc) =	sbr.rel @p0 .LBB2_2-.Ltmp0, $2  }
0x23: {  	_ =	sdelay $0x2  }
0x24: {  	s28 =	sshra.s32 s28, $0x2  }
0x25: {  	[tilespmem:s28+$0x5000] =	vst v0  }
0x26: {  	s26 =	sadd.s32 $0x0, s11;
	[bflag:$0x0] =	sbarrier.arrive $0xFFFF  }
0x27: {  	[tilespmem:s16], [sflag:$0x1] =	stream.linear.gather [hbm4b:s26+s3], $0x80, $0x38;
	[tilespmem:$0x1BA00] =	vst v63  }
0x28: {  	_ =	swait.ge [sflag:s12], $0x80  }
0x29: {  	[sflag:s12] =	ssyncset.done $0x0  }
0x2a: {  	s31 =	sadd.s32 $0x0, s10;
	[sflag:s12] =	ssyncadd.s32 $0xFFFFFF80  }
0x2b: {  	[tilespmem:s17], [sflag:$0x1] =	stream.linear.gather [hbm4b:s31+s3], $0x80, $0x38;
	[tilespmem:$0x1BA00] =	vst v63  }
0x2c: {  	_ =	swait.ge [sflag:s12], $0x80  }
0x2d: {  	[sflag:s12] =	ssyncset.done $0x0  }
0x2e: {  	[sflag:s12] =	ssyncadd.s32 $0xFFFFFF80  }
0x2f: {  	v1 =	vld [tilespmem:$0x7880];
	_ =	sdelay $0x4  }
0x30: {  	v2 =	vld [tilespmem:$0x7800];
	_ =	sdelay $0x2  }
0x31: {  	v3 =	vld.idx.msk [tilespmem:v1+s3+$0x0], $0xffff;
	_ =	sdelay $0x4  }
0x32: {  	[tilespmem:v2+s18+$0x0] =	vst.idx.add.f32.msk $0xffff, v3  }
0x33: {  	v3 =	vld.idx.msk [tilespmem:v2+s13+$0x0], $0xffff  }
0x34: {  	v4 =	vld [tilespmem:$0x7890]  }
0x35: {  	v2 =	vld.idx.msk [tilespmem:v2+s3+$0x0], $0xffff;
	_ =	sdelay $0x2  }
0x36: {  	v1 =	vshll.u32 v1, $0x7  }
0x37: {  	v1 =	vadd.s32 v1, v3;
	v3 =	vld [tilespmem:$0x7810]  }
0x38: {  	[tilespmem:$0x7980] =	vst v2  }
0x39: {  	[tilespmem:$0x7900] =	vst v1  }
0x3a: {  	v1 =	vld.idx.msk [tilespmem:v4+s3+$0x0], $0xffff;
	_ =	sdelay $0x4  }
0x3b: {  	[tilespmem:v3+s18+$0x0] =	vst.idx.add.f32.msk $0xffff, v1  }
0x3c: {  	v1 =	vld.idx.msk [tilespmem:v3+s13+$0x0], $0xffff  }
0x3d: {  	v2 =	vld [tilespmem:$0x78A0]  }
0x3e: {  	v3 =	vld.idx.msk [tilespmem:v3+s3+$0x0], $0xffff;
	_ =	sdelay $0x2  }
0x3f: {  	v4 =	vshll.u32 v4, $0x7  }
0x40: {  	v1 =	vadd.s32 v4, v1;
	v4 =	vld [tilespmem:$0x7820]  }
0x41: {  	[tilespmem:$0x7990] =	vst v3  }
0x42: {  	[tilespmem:$0x7910] =	vst v1  }
0x43: {  	v1 =	vld.idx.msk [tilespmem:v2+s3+$0x0], $0xffff;
	_ =	sdelay $0x4  }
0x44: {  	[tilespmem:v4+s18+$0x0] =	vst.idx.add.f32.msk $0xffff, v1  }
0x45: {  	v1 =	vld.idx.msk [tilespmem:v4+s13+$0x0], $0xffff  }
0x46: {  	v3 =	vld [tilespmem:$0x78B0]  }
0x47: {  	v4 =	vld.idx.msk [tilespmem:v4+s3+$0x0], $0xffff;
	_ =	sdelay $0x2  }
0x48: {  	v2 =	vshll.u32 v2, $0x7  }
0x49: {  	v1 =	vadd.s32 v2, v1;
	v2 =	vld [tilespmem:$0x7830]  }
0x4a: {  	[tilespmem:$0x79A0] =	vst v4  }
0x4b: {  	[tilespmem:$0x7920] =	vst v1  }
0x4c: {  	v1 =	vld.idx.msk [tilespmem:v3+s3+$0x0], $0xffff;
	_ =	sdelay $0x4  }
0x4d: {  	[tilespmem:v2+s18+$0x0] =	vst.idx.add.f32.msk $0xffff, v1  }
0x4e: {  	v1 =	vld.idx.msk [tilespmem:v2+s13+$0x0], $0xffff  }
0x4f: {  	v4 =	vld [tilespmem:$0x78C0]  }
0x50: {  	v2 =	vld.idx.msk [tilespmem:v2+s3+$0x0], $0xffff;
	_ =	sdelay $0x2  }
0x51: {  	v3 =	vshll.u32 v3, $0x7  }
0x52: {  	v1 =	vadd.s32 v3, v1;
	v3 =	vld [tilespmem:$0x7840]  }
0x53: {  	[tilespmem:$0x79B0] =	vst v2  }
0x54: {  	[tilespmem:$0x7930] =	vst v1  }
0x55: {  	v1 =	vld.idx.msk [tilespmem:v4+s3+$0x0], $0xffff;
	_ =	sdelay $0x4  }
0x56: {  	[tilespmem:v3+s18+$0x0] =	vst.idx.add.f32.msk $0xffff, v1  }
0x57: {  	v1 =	vld.idx.msk [tilespmem:v3+s13+$0x0], $0xffff  }
0x58: {  	v2 =	vld [tilespmem:$0x78D0]  }
0x59: {  	v3 =	vld.idx.msk [tilespmem:v3+s3+$0x0], $0xffff;
	_ =	sdelay $0x2  }
0x5a: {  	v4 =	vshll.u32 v4, $0x7  }
0x5b: {  	v1 =	vadd.s32 v4, v1;
	v4 =	vld [tilespmem:$0x7850]  }
0x5c: {  	[tilespmem:$0x79C0] =	vst v3  }
0x5d: {  	[tilespmem:$0x7940] =	vst v1  }
0x5e: {  	v1 =	vld.idx.msk [tilespmem:v2+s3+$0x0], $0xffff;
	_ =	sdelay $0x4  }
0x5f: {  	[tilespmem:v4+s18+$0x0] =	vst.idx.add.f32.msk $0xffff, v1  }
0x60: {  	v1 =	vld.idx.msk [tilespmem:v4+s13+$0x0], $0xffff  }
0x61: {  	v3 =	vld [tilespmem:$0x78E0]  }
0x62: {  	v4 =	vld.idx.msk [tilespmem:v4+s3+$0x0], $0xffff;
	_ =	sdelay $0x3  }
0x63: {  	v2 =	vshll.u32 v2, $0x7;
	v5 =	vld [tilespmem:$0x7860]  }
0x64: {  	v1 =	vadd.s32 v2, v1;
	[tilespmem:$0x79D0] =	vst v4  }
0x65: {  	[tilespmem:$0x7950] =	vst v1  }
0x66: {  	v1 =	vld.idx.msk [tilespmem:v3+s3+$0x0], $0xffff;
	_ =	sdelay $0x4  }
0x67: {  	[tilespmem:v5+s18+$0x0] =	vst.idx.add.f32.msk $0xffff, v1  }
0x68: {  	v4 =	vld.idx.msk [tilespmem:v5+s13+$0x0], $0xffff  }
0x69: {  	v1 =	vld [tilespmem:$0x78F0]  }
0x6a: {  	v5 =	vld.idx.msk [tilespmem:v5+s3+$0x0], $0xffff;
	_ =	sdelay $0x3  }
0x6b: {  	v3 =	vshll.u32 v3, $0x7;
	v2 =	vld [tilespmem:$0x7870]  }
0x6c: {  	v3 =	vadd.s32 v3, v4;
	[tilespmem:$0x79E0] =	vst v5  }
0x6d: {  	[tilespmem:$0x7960] =	vst v3  }
0x6e: {  	v3 =	vld.idx.msk [tilespmem:v1+s3+$0x0], $0xffff;
	_ =	sdelay $0x4  }
0x6f: {  	[tilespmem:v2+s18+$0x0] =	vst.idx.add.f32.msk $0xffff, v3  }
0x70: {  	s26 =	simm.s32 $0x10;
	v3 =	vld.idx.msk [tilespmem:v2+s13+$0x0], $0xffff  }
.LBB2_4:
0x71: {  	p0 =	sne.s32 s26, $0x270;
	v2 =	vld.idx.msk [tilespmem:v2+s3+$0x0], $0xffff;
	s28 =	smov.u32 s26;
	s26 =	sadd.s32 $0x10, s26  }
0x72: {  	_ =	sdelay $0x2  }
0x73: {  	v1 =	vshll.u32 v1, $0x7  }
0x74: {  	v1 =	vadd.s32 v1, v3  }
0x75: {  	[tilespmem:$0x7970] =	vst v1  }
0x76: {  	[tilespmem:$0x79F0] =	vst v2  }
0x77: {  	[spmem:s2] =	stream.indirect.scatter.add.f32 [tilespmem:s21], [sflag:$0x1], $0x1, s20, s19, $0xb8;
	[tilespmem:$0x1BA00] =	vst v63  }
0x78: {  	_ =	swait.ge [sflag:s12], $0x80  }
0x79: {  	[sflag:s12] =	ssyncset.done $0x0  }
0x7a: {  	s29 =	sadd.s32 s28, s11;
	[sflag:s12] =	ssyncadd.s32 $0xFFFFFF80  }
0x7b: {  	[tilespmem:s16], [sflag:$0x1] =	stream.linear.gather [hbm4b:s29+s3], $0x80, $0x38;
	[tilespmem:$0x1BA00] =	vst v63  }
0x7c: {  	_ =	swait.ge [sflag:s12], $0x80  }
0x7d: {  	[sflag:s12] =	ssyncset.done $0x0  }
0x7e: {  	s28 =	sadd.s32 s28, s10;
	[sflag:s12] =	ssyncadd.s32 $0xFFFFFF80  }
0x7f: {  	[tilespmem:s17], [sflag:$0x1] =	stream.linear.gather [hbm4b:s28+s3], $0x80, $0x38;
	[tilespmem:$0x1BA00] =	vst v63  }
0x80: {  	_ =	swait.ge [sflag:s12], $0x80  }
0x81: {  	[sflag:s12] =	ssyncset.done $0x0  }
0x82: {  	[sflag:s12] =	ssyncadd.s32 $0xFFFFFF80  }
0x83: {  	v1 =	vld [tilespmem:$0x7880];
	_ =	sdelay $0x3  }
0x84: {  	v2 =	vld [tilespmem:$0x7800];
	_ =	sdelay $0x3  }
0x85: {  	v3 =	vld.idx.msk [tilespmem:v1+s3+$0x0], $0xffff;
	_ =	sdelay $0x5  }
0x86: {  	[tilespmem:v2+s18+$0x0] =	vst.idx.add.f32.msk $0xffff, v3  }
0x87: {  	v3 =	vld.idx.msk [tilespmem:v2+s13+$0x0], $0xffff  }
0x88: {  	v4 =	vld [tilespmem:$0x7890]  }
0x89: {  	v2 =	vld.idx.msk [tilespmem:v2+s3+$0x0], $0xffff;
	_ =	sdelay $0x2  }
0x8a: {  	v1 =	vshll.u32 v1, $0x7  }
0x8b: {  	v1 =	vadd.s32 v1, v3  }
0x8c: {  	[tilespmem:$0x7900] =	vst v1;
	v1 =	vld [tilespmem:$0x7810]  }
0x8d: {  	[tilespmem:$0x7980] =	vst v2  }
0x8e: {  	v2 =	vld.idx.msk [tilespmem:v4+s3+$0x0], $0xffff;
	_ =	sdelay $0x5  }
0x8f: {  	[tilespmem:v1+s18+$0x0] =	vst.idx.add.f32.msk $0xffff, v2  }
0x90: {  	v2 =	vld.idx.msk [tilespmem:v1+s13+$0x0], $0xffff  }
0x91: {  	v3 =	vld [tilespmem:$0x78A0]  }
0x92: {  	v1 =	vld.idx.msk [tilespmem:v1+s3+$0x0], $0xffff;
	_ =	sdelay $0x2  }
0x93: {  	v4 =	vshll.u32 v4, $0x7  }
0x94: {  	v2 =	vadd.s32 v4, v2  }
0x95: {  	[tilespmem:$0x7910] =	vst v2;
	v2 =	vld [tilespmem:$0x7820]  }
0x96: {  	[tilespmem:$0x7990] =	vst v1  }
0x97: {  	v1 =	vld.idx.msk [tilespmem:v3+s3+$0x0], $0xffff;
	_ =	sdelay $0x5  }
0x98: {  	[tilespmem:v2+s18+$0x0] =	vst.idx.add.f32.msk $0xffff, v1  }
0x99: {  	v1 =	vld.idx.msk [tilespmem:v2+s13+$0x0], $0xffff  }
0x9a: {  	v4 =	vld [tilespmem:$0x78B0]  }
0x9b: {  	v2 =	vld.idx.msk [tilespmem:v2+s3+$0x0], $0xffff;
	_ =	sdelay $0x2  }
0x9c: {  	v3 =	vshll.u32 v3, $0x7  }
0x9d: {  	v1 =	vadd.s32 v3, v1  }
0x9e: {  	[tilespmem:$0x7920] =	vst v1;
	v1 =	vld [tilespmem:$0x7830]  }
0x9f: {  	[tilespmem:$0x79A0] =	vst v2  }
0xa0: {  	v2 =	vld.idx.msk [tilespmem:v4+s3+$0x0], $0xffff;
	_ =	sdelay $0x5  }
0xa1: {  	[tilespmem:v1+s18+$0x0] =	vst.idx.add.f32.msk $0xffff, v2  }
0xa2: {  	v2 =	vld.idx.msk [tilespmem:v1+s13+$0x0], $0xffff  }
0xa3: {  	v3 =	vld [tilespmem:$0x78C0]  }
0xa4: {  	v1 =	vld.idx.msk [tilespmem:v1+s3+$0x0], $0xffff;
	_ =	sdelay $0x2  }
0xa5: {  	v4 =	vshll.u32 v4, $0x7  }
0xa6: {  	v2 =	vadd.s32 v4, v2  }
0xa7: {  	[tilespmem:$0x7930] =	vst v2;
	v2 =	vld [tilespmem:$0x7840]  }
0xa8: {  	[tilespmem:$0x79B0] =	vst v1  }
0xa9: {  	v1 =	vld.idx.msk [tilespmem:v3+s3+$0x0], $0xffff;
	_ =	sdelay $0x5  }
0xaa: {  	[tilespmem:v2+s18+$0x0] =	vst.idx.add.f32.msk $0xffff, v1  }
0xab: {  	v1 =	vld.idx.msk [tilespmem:v2+s13+$0x0], $0xffff  }
0xac: {  	v4 =	vld [tilespmem:$0x78D0]  }
0xad: {  	v2 =	vld.idx.msk [tilespmem:v2+s3+$0x0], $0xffff;
	_ =	sdelay $0x2  }
0xae: {  	v3 =	vshll.u32 v3, $0x7  }
0xaf: {  	v1 =	vadd.s32 v3, v1  }
0xb0: {  	[tilespmem:$0x7940] =	vst v1;
	v1 =	vld [tilespmem:$0x7850]  }
0xb1: {  	[tilespmem:$0x79C0] =	vst v2  }
0xb2: {  	v2 =	vld.idx.msk [tilespmem:v4+s3+$0x0], $0xffff;
	_ =	sdelay $0x5  }
0xb3: {  	[tilespmem:v1+s18+$0x0] =	vst.idx.add.f32.msk $0xffff, v2  }
0xb4: {  	v2 =	vld.idx.msk [tilespmem:v1+s13+$0x0], $0xffff  }
0xb5: {  	v3 =	vld [tilespmem:$0x78E0]  }
0xb6: {  	v1 =	vld.idx.msk [tilespmem:v1+s3+$0x0], $0xffff  }
0xb7: {  	v5 =	vld [tilespmem:$0x7860];
	_ =	sdelay $0x1  }
0xb8: {  	v4 =	vshll.u32 v4, $0x7  }
0xb9: {  	v2 =	vadd.s32 v4, v2  }
0xba: {  	[tilespmem:$0x7950] =	vst v2  }
0xbb: {  	[tilespmem:$0x79D0] =	vst v1  }
0xbc: {  	v1 =	vld.idx.msk [tilespmem:v3+s3+$0x0], $0xffff;
	_ =	sdelay $0x5  }
0xbd: {  	[tilespmem:v5+s18+$0x0] =	vst.idx.add.f32.msk $0xffff, v1  }
0xbe: {  	v4 =	vld.idx.msk [tilespmem:v5+s13+$0x0], $0xffff  }
0xbf: {  	v1 =	vld [tilespmem:$0x78F0]  }
0xc0: {  	v5 =	vld.idx.msk [tilespmem:v5+s3+$0x0], $0xffff  }
0xc1: {  	v2 =	vld [tilespmem:$0x7870];
	_ =	sdelay $0x1  }
0xc2: {  	v3 =	vshll.u32 v3, $0x7  }
0xc3: {  	v3 =	vadd.s32 v3, v4  }
0xc4: {  	[tilespmem:$0x7960] =	vst v3  }
0xc5: {  	[tilespmem:$0x79E0] =	vst v5  }
0xc6: {  	v3 =	vld.idx.msk [tilespmem:v1+s3+$0x0], $0xffff;
	_ =	sdelay $0x2  }
.Ltmp1:
0xc7: {  	(pc) =	sbr.rel @p0 .LBB2_4-.Ltmp1, $3  }
0xc8: {  	_ =	sdelay $0x1  }
0xc9: {  	[tilespmem:v2+s18+$0x0] =	vst.idx.add.f32.msk $0xffff, v3  }
0xca: {  	v3 =	vld.idx.msk [tilespmem:v2+s13+$0x0], $0xffff  }
0xcb: {  	_ =	sdelay $0x3  }
0xcc: {  	v2 =	vld.idx.msk [tilespmem:v2+s3+$0x0], $0xffff;
	_ =	sdelay $0x1  }
0xcd: {  	v1 =	vshll.u32 v1, $0x7  }
0xce: {  	v1 =	vadd.s32 v1, v3  }
0xcf: {  	[tilespmem:$0x7970] =	vst v1  }
0xd0: {  	[tilespmem:$0x79F0] =	vst v2  }
0xd1: {  	[spmem:s2] =	stream.indirect.scatter.add.f32 [tilespmem:s21], [sflag:$0x1], $0x1, s20, s19, $0xb8;
	[tilespmem:$0x1BA00] =	vst v63  }
0xd2: {  	_ =	swait.ge [sflag:s12], $0x80  }
0xd3: {  	[sflag:s12] =	ssyncset.done $0x0  }
0xd4: {  	[sflag:s12] =	ssyncadd.s32 $0xFFFFFF80  }
0xd5: {  	[hbm4b:s7+s19] =	stream.strided.scatter [tilespmem:s18], [sflag:$0x1], $0x2800, s22, s19, $0x38;
	[tilespmem:$0x1BA00] =	vst v63  }
0xd6: {  	_ =	swait.ge [sflag:s12], $0x2800  }
0xd7: {  	s25 =	sadd.s32 $0x1, s25;
	[sflag:s12] =	ssyncset.done $0x0  }
0xd8: {  	p0 =	sne.s32 s25, s9;
	[sflag:s12] =	ssyncadd.s32 $0xFFFFD800  }
.Ltmp2:
0xd9: {  	[bflag:$0x0] =	sbarrier.arrive $0xFFFF;
	(pc) =	sbr.rel @p0 .LBB2_1-.Ltmp2, $4  }
0xda: {  	[hbm:s8@s23], [sflag:s14] =	dma.strided [spmem:s15@s24], $0x2800, s12, $0x10   }
0xdb: {  	_ =	swait.ge [sflag:s12], $0x2800  }
0xdc: {  	[sflag:s12] =	ssyncset.done $0x0  }
0xdd: {  	[sflag:s12] =	ssyncadd.s32 $0xFFFFD800  }
0xde: {  	_ =	sfence.sel $0x180000  }
0xdf: {  	[bflag:$0x0] =	sbarrier.arrive $0xFFFF  }
0xe0: {  	p0 =	sne.s32 s1, $0x0;
	_ =	strace $0x9000004A  }
0xe1: {  	s0 =	sadd.s32 @!p0 $0x100000, s0;
	[bflag:$0x2] =	sbarrier.arrive $0xFFFF  }
0xe2: {  	[sflag:s0] =	ssyncadd.tile.s32 @!p0 $0x1;
	_ =	shalt  }
.Lfunc_end2:
_tile_overlayer_lowered:
.L_overlay_start_2:
0xe3: {  	(tag) =	ssettag $0x2  }
0xe4: {  	s0 =	rddreg [dreg:$0x0];
	s2 =	stileid.u32  }
0xe5: {  	s1 =	rddreg [dreg:$0x1];
	p0 =	sne.s32 s2, $0x0  }
0xe6: {  	s3 =	rddreg [dreg:$0x2];
	[bflag:$0x3] =	sbarrier.arrive $0xFFFF;
	s2 =	simm.s32 @!p0 $0x1C01  }
0xe7: {  	[timem:s3], [sflag:s2] =	dma.local @!p0 [hbm:s0], s1  }
0xe8: {  	s0 =	simm.s32 @!p0 $0x1  }
0xe9: {  	_ =	swait.ge @!p0 [sflag:s0], s1  }
0xea: {  	s1 =	ssub.s32 @!p0 $0x0, s1;
	[sflag:s0] =	ssyncset.done @!p0 $0x0  }
0xeb: {  	[sflag:s0] =	ssyncadd.s32 @!p0 s1  }
0xec: {  	[bflag:$0x3] =	sbarrier.arrive $0xFFFF  }
0xed: {  	_ =	shalt  }

// kernel: kernel.16.cloned.1.call-start
scs
__scs_entry_jumppad:
0x0: {  	(pc) =	sbr.rel $0x88, $3  }
0x1: {  	(tag) =	ssettag $0x0;
	lr =	simm.s32 $0x1  }
0x2: {  	[smem:$0x3F98] =	sst lr;
	_ =	strace $0xD0000000  }
0x3: {  	_ = 	snop  }
0x4: {  	_ = 	snop  }
0x5: {  	_ = 	snop  }
0x6: {  	_ = 	snop  }
0x7: {  	_ = 	snop  }
__scs_overlays_trampoline_lowered:
0x8: {  	[smem:$0x3FA7] =	sst s0  }
0x9: {  	[smem:$0x3FA8] =	sst s1  }
0xa: {  	[smem:$0x3FA9] =	sst s2  }
0xb: {  	[smem:$0x3FAA] =	sst s3  }
0xc: {  	[smem:$0x3FAB] =	sst s4  }
0xd: {  	[smem:$0x3FAC] =	sst s5  }
0xe: {  	[smem:$0x3FAD] =	sst s6  }
0xf: {  	[smem:$0x3FAE] =	sst s7  }
0x10: {  	[smem:$0x3FAF] =	sst s8  }
0x11: {  	[smem:$0x3FB0] =	sst s9;
	s0 =	simm.s32 @!p0 $0x0  }
0x12: {  	s1 =	sld [smem:$0x3F96];
	s0 =	simm.s32 @p0 $0x1  }
0x13: {  	[smem:$0x3FB1] =	sst s0;
	s0 =	simm.s32 @!p1 $0x0  }
0x14: {  	s2 =	sld [smem:$0x3F95];
	s0 =	simm.s32 @p1 $0x1  }
0x15: {  	[smem:$0x3FB2] =	sst s0;
	s0 =	simm.s32 @!p2 $0x0  }
0x16: {  	s3 =	sld [smem:$0x3FDB];
	s0 =	simm.s32 @p2 $0x1  }
0x17: {  	s4 =	simm.s32 $0x1BF5;
	[smem:$0x3FB4] =	sst s0  }
0x18: {  	s0 =	sld [smem:$0x3F97];
	_ =	swait.ge [sflag:s4], $0x0  }
0x19: {  	s7 =	sld [smem:$0x3F98]  }
0x1a: {  	s8 =	sadd.s32 $0xFFFFE003, lr  }
0x1b: {  	s9 =	sadd.s32 $0xFFFFFEF7, lr;
	s5 =	simm.s32 $0xFFFFFFFF;
	p2 =	slt.u32 s8, $0xFFFFF086  }
0x1c: {  	p1 =	slt.u32 s9, $0xF7A;
	s5 =	simm.s32 @!p2 $0x0  }
0x1d: {  	s5 =	simm.s32 @p1 $0x1;
	p0 =	seq.s32 s7, s2  }
0x1e: {  	s7 =	smul.u32 @!p0 $0xF7A, s2;
	p2 =	seq.s32 @!p0 s5, $0x0  }
0x1f: {  	s9 =	smul.u32 $0xF7A, s1;
	s8 =	simm.s32 @!p0 $0x1BF5;
	p2 =	por !p2, p0  }
0x20: {  	[sflag:s8] =	ssyncset.s32 @!p0 $0xFFFFF086;
	s6 =	sadd.s32 @!p0 s3, s7;
	s7 =	simm.s32 @!p0 $0x108  }
0x21: {  	s3 =	sadd.s32 s3, s9;
	s6 =	sadd.s32 @!p0 $0x88, s6;
	s7 =	simm.s32 @p2 $0x1082  }
0x22: {  	[simem:s7], [sflag:s8] =	dma.local @!p0 [hbm:s6], $0xF7A  }
0x23: {  	s9 =	sor.u32 $0xD0000000, s2;
	s6 =	simm.s32 $0x108;
	_ =	swait.ge @!p0 [sflag:s8], $0x0  }
0x24: {  	s3 =	sadd.s32 $0x88, s3;
	s6 =	simm.s32 @!p1 $0x1082;
	[sflag:s4] =	ssyncset.s32 $0xFFFFF086  }
0x25: {  	[simem:s6], [sflag:s4] =	dma.local [hbm:s3], $0xF7A  }
0x26: {  	[smem:$0x3F98] =	sst s1;
	(tag) =	ssettag s2;
	_ =	strace s9  }
0x27: {  	s1 =	sld [smem:$0x3FA8]  }
0x28: {  	s2 =	sld [smem:$0x3FA9]  }
0x29: {  	s4 =	sld [smem:$0x3FAB]  }
0x2a: {  	p0 =	seq.s32 s5, $0x0;
	s5 =	sld [smem:$0x3FAC]  }
0x2b: {  	s6 =	sld [smem:$0x3FAD]  }
0x2c: {  	s7 =	sld [smem:$0x3FAE]  }
0x2d: {  	s3 =	simm.s32 $0x108;
	s8 =	sld [smem:$0x3FAF]  }
0x2e: {  	s3 =	simm.s32 @!p0 $0x1082;
	s9 =	sld [smem:$0x3FB0]  }
0x2f: {  	lr =	sadd.s32 s0, s3;
	s0 =	sld [smem:$0x3FA7]  }
0x30: {  	s3 =	sld [smem:$0x3FAA]  }
0x31: {  	[smem:$0x3FB3] =	sst s10  }
0x32: {  	s10 =	sld [smem:$0x3FB1];
	_ =	sdelay $0x3  }
0x33: {  	p0 =	seq.s32 s10, $0x1;
	s10 =	sld [smem:$0x3FB3];
	_ =	sdelay $0x3  }
0x34: {  	[smem:$0x3FB3] =	sst s10  }
0x35: {  	s10 =	sld [smem:$0x3FB2];
	_ =	sdelay $0x3  }
0x36: {  	p1 =	seq.s32 s10, $0x1;
	s10 =	sld [smem:$0x3FB3];
	_ =	sdelay $0x3  }
0x37: {  	[smem:$0x3FB3] =	sst s10  }
0x38: {  	s10 =	sld [smem:$0x3FB4]  }
0x39: {  	_ = 	snop;
	(pc) =	sbr.ind lr, $3  }
0x3a: {  	_ = 	snop  }
0x3b: {  	_ = 	snop  }
0x3c: {  	p2 =	seq.s32 s10, $0x1;
	s10 =	sld [smem:$0x3FB3]  }
0x3d: {  	_ =	shalt  }
0x3e: {  	_ =	shalt  }
0x3f: {  	_ =	shalt  }
0x40: {  	_ =	shalt  }
0x41: {  	_ =	shalt  }
0x42: {  	_ =	shalt  }
0x43: {  	_ =	shalt  }
0x44: {  	_ =	shalt  }
0x45: {  	_ =	shalt  }
0x46: {  	_ =	shalt  }
0x47: {  	_ =	shalt  }
0x48: {  	_ =	shalt  }
0x49: {  	_ =	shalt  }
0x4a: {  	_ =	shalt  }
0x4b: {  	_ =	shalt  }
0x4c: {  	_ =	shalt  }
0x4d: {  	_ =	shalt  }
0x4e: {  	_ =	shalt  }
0x4f: {  	_ =	shalt  }
0x50: {  	_ =	shalt  }
0x51: {  	_ =	shalt  }
0x52: {  	_ =	shalt  }
0x53: {  	_ =	shalt  }
0x54: {  	_ =	shalt  }
0x55: {  	_ =	shalt  }
0x56: {  	_ =	shalt  }
0x57: {  	_ =	shalt  }
0x58: {  	_ =	shalt  }
0x59: {  	_ =	shalt  }
0x5a: {  	_ =	shalt  }
0x5b: {  	_ =	shalt  }
0x5c: {  	_ =	shalt  }
0x5d: {  	_ =	shalt  }
0x5e: {  	_ =	shalt  }
0x5f: {  	_ =	shalt  }
0x60: {  	_ =	shalt  }
0x61: {  	_ =	shalt  }
0x62: {  	_ =	shalt  }
0x63: {  	_ =	shalt  }
0x64: {  	_ =	shalt  }
0x65: {  	_ =	shalt  }
0x66: {  	_ =	shalt  }
0x67: {  	_ =	shalt  }
0x68: {  	_ =	shalt  }
0x69: {  	_ =	shalt  }
0x6a: {  	_ =	shalt  }
0x6b: {  	_ =	shalt  }
0x6c: {  	_ =	shalt  }
0x6d: {  	_ =	shalt  }
0x6e: {  	_ =	shalt  }
0x6f: {  	_ =	shalt  }
0x70: {  	_ =	shalt  }
0x71: {  	_ =	shalt  }
0x72: {  	_ =	shalt  }
0x73: {  	_ =	shalt  }
0x74: {  	_ =	shalt  }
0x75: {  	_ =	shalt  }
0x76: {  	_ =	shalt  }
0x77: {  	_ =	shalt  }
0x78: {  	_ =	shalt  }
0x79: {  	_ =	shalt  }
0x7a: {  	_ =	shalt  }
0x7b: {  	_ =	shalt  }
0x7c: {  	_ =	shalt  }
0x7d: {  	_ =	shalt  }
0x7e: {  	_ =	shalt  }
0x7f: {  	_ =	shalt  }
0x80: {  	_ =	shalt  }
0x81: {  	_ =	shalt  }
0x82: {  	_ =	shalt  }
0x83: {  	_ =	shalt  }
0x84: {  	_ =	shalt  }
0x85: {  	_ =	shalt  }
0x86: {  	_ =	shalt  }
0x87: {  	_ =	shalt  }
.Lfunc_end0:
.L_simem_size_0:
called_computation.2_lowered:
.L_overlay_start_0:
0x88: {  	s2 =	sld [smem:$0x3FD9]  }
0x89: {  	s3 =	sld [smem:$0x3FFE];
	_ =	sdelay $0x1  }
0x8a: {  	s1 =	srdreg.scid  }
0x8b: {  	s0 =	sand.u32 $0x1, s1  }
0x8c: {  	s16 =	sshll.u32 s0, $0xA;
	s2 =	sadd.s32 s3, s2  }
0x8d: {  	s2 =	sadd.s32 s2, s16  }
0x8e: {  	[smem:$0x3FBF] =	sst s2  }
0x8f: {  	_ = 	snop  }
0x90: {  	(tm) =	ssettm $0x1  }
0x91: {  	s17 =	sld [smem:$0x3FFB];
	_ =	sdelay $0x3  }
0x92: {  	_ =	strace s17  }
0x93: {  	s2 =	sld [smem:$0x3FFC];
	_ =	sdelay $0x3  }
0x94: {  	_ =	strace s2  }
0x95: {  	s2 =	sld [smem:$0x3FFD];
	_ =	sdelay $0x3  }
0x96: {  	_ =	strace s2  }
0x97: {  	_ =	strace $0x8FFFFFFF  }
0x98: {  	s18 =	sld [smem:$0x3FDB];
	_ =	sdelay $0x1  }
0x99: {  	s19 =	simm.s32 $_scs_section_size  }
0x9a: {  	s4 =	simm.s32 $_size__tile_overlayer_lowered;
	s5 =	simm.s32 $_tile_overlayer_lowered  }
0x9b: {  	s22 =	simm.s32 $0x1BFF;
	s21 =	sshll.u32 s5, $0x1;
	s2 =	sadd.s32 s19, s18  }
0x9c: {  	s6 =	simm.s32 $0x0;
	s20 =	sshll.u32 s4, $0x1;
	s4 =	sadd.s32 s21, s2  }
0x9d: {  	[timem:s6], [sflag:s22] =	dma.local [hbm:s4], s20  }
0x9e: {  	_ =	swait.ge [sflag:s22], s20  }
0x9f: {  	s3 =	ssub.s32 $0x0, s20;
	[sflag:s22] =	ssyncset.done $0x0  }
0xa0: {  	[sflag:s22] =	ssyncadd.s32 s3;
	_ =	sdelay $0x1  }
0xa1: {  	s23 =	simm.s32 $0x1B8B  }
0xa2: {  	_ =	swait.ge [sflag:s23], $0x1  }
0xa3: {  	[sflag:s23] =	ssyncset.done $0x0  }
0xa4: {  	s25 =	simm.s32 $0x1B8E;
	s24 =	sld [smem:$0x3FFE];
	[sflag:s23] =	ssyncadd.s32 $0xFFFFFFFF  }
0xa5: {  	s26 =	simm.s32 $execute0_lowered;
	[smem:$0x3FD2] =	sst s25  }
0xa6: {  	s4 =	sshll.u32 s26, $0x1;
	_ =	strace $0x8000004C;
	[dreg:$0x1] =	wrdreg $0xFFFFFFFF  }
0xa7: {  	s28 =	simm.s32 $_size_execute0_lowered;
	s2 =	sadd.s32 s2, s4;
	[dreg:$0x0] =	wrdreg $0x0  }
0xa8: {  	s4 =	sshll.u32 s28, $0x1;
	[dreg:$0x2] =	wrdreg s2  }
0xa9: {  	[dreg:$0x3] =	wrdreg s4  }
0xaa: {  	[dreg:$0x4] =	wrdreg $0xC0  }
0xab: {  	_ =	task [dreg:s6], $0x5FFFF  }
0xac: {  	[dreg:$0x1] =	wrdreg $0xFFFFFFFF  }
0xad: {  	[dreg:$0x0] =	wrdreg $0x60  }
0xae: {  	[dreg:$0x2] =	wrdreg s24  }
0xaf: {  	[dreg:$0x3] =	wrdreg $0xC3000  }
0xb0: {  	[dreg:$0x4] =	wrdreg $0x9  }
0xb1: {  	_ =	task.clear_ibuf [dreg:s6], $0x5FFFF;
	_ =	strace $0x9000004C  }
0xb2: {  	s29 =	simm.s32 $0x9;
	_ =	strace $0x8000004E  }
0xb3: {  	_ =	swait.ge [sflag:s29], $0x1  }
0xb4: {  	[sflag:s29] =	ssyncadd.s32 $0xFFFFFFFF  }
0xb5: {  	_ =	strace $0x9000004E  }
0xb6: {  	_ =	sfence  }
0xb7: {  	s30 =	sld [smem:$0x0];
	_ =	sdelay $0x2  }
0xb8: {  	s31 =	sshll.u32 s1, $0xD;
	s1 =	sshrl.u32 s1, $0x2  }
0xb9: {  	s3 =	sand.u32 $0x4000, s31;
	s1 =	sadd.s32 s1, s30  }
0xba: {  	s0 =	sor.u32 s3, s0;
	s1 =	sshll.u32 s1, $0x11  }
0xbb: {  	s0 =	sor.u32 s1, s0  }
0xbc: {  	s0 =	sadd.s32 $0x8F2B, s0  }
0xbd: {  	[sflag:s0] =	ssyncadd.remote.s32 $0x1  }
0xbe: {  	_ =	sfence.sel $0xFFFF  }
0xbf: {  	[dreg:$0x0] =	wrdreg $0xFFFFFFFF;
	(pc) =	sbr.abs _section_cstart, $3  }
0xc0: {  	[dreg:$0x1] =	wrdreg $0xFFFFFFFF  }
0xc1: {  	_ =	task.clear_ibuf [dreg:s6], $0x2FFFF;
	_ =	strace $0x9FFFFFFF  }
0xc2: {  	(tm) =	ssettm $0x7FFFFFFF  }
0xc3: {  	_ =	shalt  }
tec
execute0_lowered:
.L_overlay_start_1:
0x0: {  	(tag) =	ssettag $0x1  }
0x1: {  	s0 =	rddreg [dreg:$0x0]  }
0x2: {  	s2 =	rddreg [dreg:$0x1];
	s3 =	simm.s32 $0x0  }
0x3: {  	s12 =	stileid.u32;
	s5 =	srdreg.scid;
	s28 =	simm.s32 $0x8300  }
0x4: {  	s29 =	simm.s32 $0x1;
	s30 =	simm.s32 $0x2;
	s31 =	simm.s32 $0x3  }
0x5: {  	[smem:$0x7FF] =	sst s3;
	s1 =	smul.u32 $0x13C00, s12;
	s4 =	sadd.s32 $0x3F000, s0  }
0x6: {  	s5 =	sand.u32 $0x1, s5;
	s6 =	sadd.s32 $0x11A00, s0;
	s13 =	smul.u32 $0x4F000, s12  }
0x7: {  	s17 =	sadd.s32 $0x2A00, s0;
	s9 =	sshll.u32 s12, $0x1;
	s11 =	smul.u32 $0x2800, s12  }
0x8: {  	s15 =	sshll.u32 s12, $0x6;
	_ =	strace $0x8000004D;
	s8 =	smul.u32 $0x140000, s5  }
0x9: {  	s9 =	sor.u32 s5, s9;
	s10 =	ssub.s32 $0x2, s5;
	s5 =	smul.u32 $0x1400, s5  }
0xa: {  	s7 =	sshrl.u32 s1, $0x3;
	s9 =	smul.u32 $0x1400, s9;
	s14 =	sshrl.u32 s10, $0x1  }
0xb: {  	s7 =	sadd.s32 s7, s0;
	s1 =	sadd.s32 s1, s8;
	s8 =	sshrl.u32 s13, $0x2  }
0xc: {  	s5 =	sadd.s32 s5, s11;
	s1 =	sshrl.u32 s1, $0x3;
	s8 =	sadd.s32 s8, s2  }
0xd: {  	s7 =	sadd.s32 $0x67000, s7;
	s16 =	sshrl.u32 s9, $0x3;
	s19 =	sor.u32 $0x200, s5  }
0xe: {  	s24 =	sor.u32 $0x180, s5;
	s25 =	sor.u32 $0x100, s5;
	[dreg:$0x4] =	wrdreg s8  }
0xf: {  	s0 =	sadd.s32 s1, s0;
	s1 =	ssub.s32 s10, s14;
	[dreg:$0x5] =	wrdreg s7  }
0x10: {  	s7 =	sor.u32 $0x1C04, s15;
	s9 =	sadd.s32 s6, s16;
	s18 =	sor.u32 $0x10, s16  }
0x11: {  	s8 =	sadd.s32 s17, s16;
	s21 =	sshrl.u32 s19, $0x3;
	[dreg:$0x6] =	wrdreg s9  }
0x12: {  	s26 =	sshrl.u32 s25, $0x3;
	[dreg:$0x7] =	wrdreg s8;
	s20 =	sadd.s32 s6, s18  }
0x13: {  	s19 =	simm.s32 $0x4;
	s22 =	sadd.s32 s17, s18;
	[dreg:$0x8] =	wrdreg s20  }
0x14: {  	s25 =	simm.s32 $0x100;
	s0 =	sadd.s32 $0xC1000, s0;
	[dreg:$0x9] =	wrdreg s22  }
0x15: {  	s23 =	sadd.s32 s21, s17;
	s1 =	smax.u32 s1, $0x1;
	[dreg:$0xa] =	wrdreg s0  }
0x16: {  	s14 =	sadd.s32 s21, s6;
	s18 =	sadd.s32 s26, s6;
	[dreg:$0xb] =	wrdreg s1  }
0x17: {  	s21 =	simm.s32 $0x80;
	[dreg:$0x3] =	wrdreg s23;
	s0 =	sshrl.u32 s24, $0x3  }
0x18: {  	s20 =	simm.s32 $0x180;
	s22 =	simm.s32 $0x300;
	s23 =	simm.s32 $0x200  }
0x19: {  	s24 =	simm.s32 $0x4300;
	s15 =	sadd.s32 s0, s17;
	s16 =	sadd.s32 s0, s6  }
0x1a: {  	s17 =	sadd.s32 s26, s17;
	s26 =	simm.s32 $0x280;
	s0 =	simm.s32 $0x0  }
.LBB2_1:
0x1b: {  	s1 =	rddreg [dreg:$0x4]  }
0x1c: {  	s5 =	rddreg [dreg:$0x5];
	s1 =	sshrl.u32 s1, $0x3  }
0x1d: {  	[spmem:s1], [sflag:s7] =	dma.local [hbm:s5], $0x2780  }
0x1e: {  	_ =	swait.ge [sflag:s19], $0x2780  }
0x1f: {  	[sflag:s19] =	ssyncset.done $0x0  }
0x20: {  	[sflag:s19] =	ssyncadd.s32 $0xFFFFD880  }
0x21: {  	[bflag:$0x0] =	sbarrier.arrive $0xFFFF  }
0x22: {  	s13 =	rddreg [dreg:$0x6]  }
0x23: {  	[tilespmem:s3], [sflag:$0x4] =	stream.linear.gather [hbm4b:s13+s3], $0x80, $0x38;
	[tilespmem:$0x1FF00] =	vst v63  }
0x24: {  	_ =	swait.ge [sflag:s19], $0x80  }
0x25: {  	[sflag:s19] =	ssyncset.done $0x0  }
0x26: {  	s6 =	rddreg [dreg:$0x7];
	[sflag:s19] =	ssyncadd.s32 $0xFFFFFF80  }
0x27: {  	[tilespmem:s20], [sflag:$0x4] =	stream.linear.gather [hbm4b:s6+s3], $0x80, $0x38;
	[tilespmem:$0x1FF00] =	vst v63  }
0x28: {  	_ =	swait.ge [sflag:s19], $0x80  }
0x29: {  	[sflag:s19] =	ssyncset.done $0x0  }
0x2a: {  	[sflag:s19] =	ssyncadd.s32 $0xFFFFFF80  }
0x2b: {  	[tilespmem:s22], [sflag:$0x1] =	stream.indirect.gather [hbm4b:s4+s21], $0x80, s3, s21, $0xb8;
	[tilespmem:$0x1FF00] =	vst v63  }
0x2c: {  	s8 =	rddreg [dreg:$0x8]  }
0x2d: {  	[tilespmem:s21], [sflag:$0x4] =	stream.linear.gather [hbm4b:s8+s3], $0x80, $0x38;
	[tilespmem:$0x1FF00] =	vst v63  }
0x2e: {  	_ =	swait.ge [sflag:s19], $0x80  }
0x2f: {  	[sflag:s19] =	ssyncset.done $0x0  }
0x30: {  	s9 =	rddreg [dreg:$0x9];
	[sflag:s19] =	ssyncadd.s32 $0xFFFFFF80  }
0x31: {  	[tilespmem:s23], [sflag:$0x4] =	stream.linear.gather [hbm4b:s9+s3], $0x80, $0x38;
	[tilespmem:$0x1FF00] =	vst v63  }
0x32: {  	_ =	swait.ge [sflag:s19], $0x80  }
0x33: {  	[sflag:s19] =	ssyncset.done $0x0  }
0x34: {  	[sflag:s19] =	ssyncadd.s32 $0xFFFFFF80  }
0x35: {  	[tilespmem:s24], [sflag:$0x2] =	stream.indirect.gather [hbm4b:s4+s21], $0x80, s21, s21, $0xb8;
	[tilespmem:$0x1FF00] =	vst v63  }
0x36: {  	s10 =	sadd.s32 $0x0, s18  }
0x37: {  	[tilespmem:s25], [sflag:$0x4] =	stream.linear.gather [hbm4b:s10+s3], $0x80, $0x38;
	[tilespmem:$0x1FF00] =	vst v63  }
0x38: {  	_ =	swait.ge [sflag:s19], $0x80  }
0x39: {  	[sflag:s19] =	ssyncset.done $0x0  }
0x3a: {  	s11 =	sadd.s32 $0x0, s17;
	[sflag:s19] =	ssyncadd.s32 $0xFFFFFF80  }
0x3b: {  	[tilespmem:s26], [sflag:$0x4] =	stream.linear.gather [hbm4b:s11+s3], $0x80, $0x38;
	[tilespmem:$0x1FF00] =	vst v63  }
0x3c: {  	_ =	swait.ge [sflag:s19], $0x80  }
0x3d: {  	[sflag:s19] =	ssyncset.done $0x0  }
0x3e: {  	[sflag:s19] =	ssyncadd.s32 $0xFFFFFF80  }
0x3f: {  	[tilespmem:s28], [sflag:$0x3] =	stream.indirect.gather [hbm4b:s4+s21], $0x80, s25, s21, $0xb8;
	[tilespmem:$0x1FF00] =	vst v63  }
0x40: {  	_ =	swait.ge [sflag:s29], $0x4000  }
0x41: {  	[sflag:s29] =	ssyncset.done $0x0  }
0x42: {  	[sflag:s29] =	ssyncadd.s32 $0xFFFFC000  }
0x43: {  	[spmem:s2] =	stream.indirect.scatter.add.f32 [tilespmem:s22], [sflag:$0x4], $0x80, s20, s21, $0xb8;
	[tilespmem:$0x1FF00] =	vst v63  }
0x44: {  	_ =	swait.ge [sflag:s19], $0x4000  }
0x45: {  	[sflag:s19] =	ssyncset.done $0x0  }
0x46: {  	s12 =	sadd.s32 $0x0, s16;
	[sflag:s19] =	ssyncadd.s32 $0xFFFFC000  }
0x47: {  	[tilespmem:s3], [sflag:$0x4] =	stream.linear.gather [hbm4b:s12+s3], $0x80, $0x38;
	[tilespmem:$0x1FF00] =	vst v63  }
0x48: {  	_ =	swait.ge [sflag:s19], $0x80  }
0x49: {  	[sflag:s19] =	ssyncset.done $0x0  }
0x4a: {  	s13 =	sadd.s32 $0x0, s15;
	[sflag:s19] =	ssyncadd.s32 $0xFFFFFF80  }
0x4b: {  	[tilespmem:s20], [sflag:$0x4] =	stream.linear.gather [hbm4b:s13+s3], $0x80, $0x38;
	[tilespmem:$0x1FF00] =	vst v63  }
0x4c: {  	_ =	swait.ge [sflag:s19], $0x80  }
0x4d: {  	[sflag:s19] =	ssyncset.done $0x0  }
0x4e: {  	[sflag:s19] =	ssyncadd.s32 $0xFFFFFF80  }
0x4f: {  	[tilespmem:s22], [sflag:$0x1] =	stream.indirect.gather [hbm4b:s4+s21], $0x80, s3, s21, $0xb8;
	[tilespmem:$0x1FF00] =	vst v63  }
0x50: {  	_ =	swait.ge [sflag:s30], $0x4000  }
0x51: {  	[sflag:s30] =	ssyncset.done $0x0  }
0x52: {  	[sflag:s30] =	ssyncadd.s32 $0xFFFFC000  }
0x53: {  	[spmem:s2] =	stream.indirect.scatter.add.f32 [tilespmem:s24], [sflag:$0x4], $0x80, s23, s21, $0xb8;
	[tilespmem:$0x1FF00] =	vst v63  }
0x54: {  	p0 =	por $0x0, $0x0;
	_ =	swait.ge [sflag:s19], $0x4000  }
0x55: {  	s5 =	sadd.s32 @!p0 $0x0, s14;
	s6 =	simm.s32 @!p0 $0x0;
	[sflag:s19] =	ssyncset.done $0x0  }
0x56: {  	s8 =	simm.s32 @!p0 $0x80;
	s9 =	simm.s32 @!p0 $0x4;
	[sflag:s19] =	ssyncadd.s32 $0xFFFFC000  }
0x57: {  	[tilespmem:s8], [sflag:$0x4] =	stream.linear.gather @!p0 [hbm4b:s5+s6], $0x80, $0x38;
	[tilespmem:$0x1FF00] =	vst v63  }
0x58: {  	_ =	swait.ge @!p0 [sflag:s9], $0x80  }
0x59: {  	s5 =	rddreg [dreg:$0x3];
	[sflag:s9] =	ssyncset.done @!p0 $0x0  }
0x5a: {  	s10 =	simm.s32 @!p0 $0x200;
	[sflag:s9] =	ssyncadd.s32 @!p0 $0xFFFFFF80;
	s5 =	sadd.s32 @!p0 $0x0, s5  }
0x5b: {  	[tilespmem:s10], [sflag:$0x4] =	stream.linear.gather @!p0 [hbm4b:s5+s6], $0x80, $0x38;
	[tilespmem:$0x1FF00] =	vst v63  }
0x5c: {  	_ =	swait.ge @!p0 [sflag:s9], $0x80  }
0x5d: {  	[sflag:s9] =	ssyncset.done @!p0 $0x0  }
0x5e: {  	s5 =	simm.s32 @!p0 $0x4300;
	[sflag:s9] =	ssyncadd.s32 @!p0 $0xFFFFFF80  }
0x5f: {  	[tilespmem:s5], [sflag:$0x2] =	stream.indirect.gather @!p0 [hbm4b:s4+s8], $0x80, s8, s8, $0xb8;
	[tilespmem:$0x1FF00] =	vst v63  }
0x60: {  	_ =	swait.ge [sflag:s31], $0x4000  }
0x61: {  	[sflag:s31] =	ssyncset.done $0x0  }
0x62: {  	[sflag:s31] =	ssyncadd.s32 $0xFFFFC000  }
0x63: {  	[spmem:s2] =	stream.indirect.scatter.add.f32 [tilespmem:s28], [sflag:$0x4], $0x80, s26, s21, $0xb8;
	[tilespmem:$0x1FF00] =	vst v63  }
0x64: {  	s6 =	simm.s32 $0x60;
	s5 =	simm.s32 $0x30;
	_ =	swait.ge [sflag:s19], $0x4000  }
.LBB2_2:
0x65: {  	[sflag:s19] =	ssyncset.done $0x0  }
0x66: {  	s9 =	sadd.s32 s5, s18;
	[sflag:s19] =	ssyncadd.s32 $0xFFFFC000  }
0x67: {  	[tilespmem:s25], [sflag:$0x4] =	stream.linear.gather [hbm4b:s9+s3], $0x80, $0x38;
	[tilespmem:$0x1FF00] =	vst v63  }
0x68: {  	_ =	swait.ge [sflag:s19], $0x80  }
0x69: {  	[sflag:s19] =	ssyncset.done $0x0  }
0x6a: {  	s11 =	sadd.s32 s5, s17;
	[sflag:s19] =	ssyncadd.s32 $0xFFFFFF80  }
0x6b: {  	[tilespmem:s26], [sflag:$0x4] =	stream.linear.gather [hbm4b:s11+s3], $0x80, $0x38;
	[tilespmem:$0x1FF00] =	vst v63  }
0x6c: {  	_ =	swait.ge [sflag:s19], $0x80  }
0x6d: {  	[sflag:s19] =	ssyncset.done $0x0  }
0x6e: {  	[sflag:s19] =	ssyncadd.s32 $0xFFFFFF80  }
0x6f: {  	[tilespmem:s28], [sflag:$0x3] =	stream.indirect.gather [hbm4b:s4+s21], $0x80, s25, s21, $0xb8;
	[tilespmem:$0x1FF00] =	vst v63  }
0x70: {  	_ =	swait.ge [sflag:s29], $0x4000  }
0x71: {  	[sflag:s29] =	ssyncset.done $0x0  }
0x72: {  	[sflag:s29] =	ssyncadd.s32 $0xFFFFC000  }
0x73: {  	[spmem:s2] =	stream.indirect.scatter.add.f32 [tilespmem:s22], [sflag:$0x4], $0x80, s20, s21, $0xb8;
	[tilespmem:$0x1FF00] =	vst v63  }
0x74: {  	_ =	swait.ge [sflag:s19], $0x4000  }
0x75: {  	[sflag:s19] =	ssyncset.done $0x0  }
0x76: {  	s12 =	sadd.s32 s5, s16;
	[sflag:s19] =	ssyncadd.s32 $0xFFFFC000  }
0x77: {  	[tilespmem:s3], [sflag:$0x4] =	stream.linear.gather [hbm4b:s12+s3], $0x80, $0x38;
	[tilespmem:$0x1FF00] =	vst v63  }
0x78: {  	_ =	swait.ge [sflag:s19], $0x80  }
0x79: {  	[sflag:s19] =	ssyncset.done $0x0  }
0x7a: {  	s13 =	sadd.s32 s5, s15;
	[sflag:s19] =	ssyncadd.s32 $0xFFFFFF80  }
0x7b: {  	[tilespmem:s20], [sflag:$0x4] =	stream.linear.gather [hbm4b:s13+s3], $0x80, $0x38;
	[tilespmem:$0x1FF00] =	vst v63  }
0x7c: {  	_ =	swait.ge [sflag:s19], $0x80  }
0x7d: {  	[sflag:s19] =	ssyncset.done $0x0  }
0x7e: {  	[sflag:s19] =	ssyncadd.s32 $0xFFFFFF80  }
0x7f: {  	[tilespmem:s22], [sflag:$0x1] =	stream.indirect.gather [hbm4b:s4+s21], $0x80, s3, s21, $0xb8;
	[tilespmem:$0x1FF00] =	vst v63  }
0x80: {  	_ =	swait.ge [sflag:s30], $0x4000  }
0x81: {  	[sflag:s30] =	ssyncset.done $0x0  }
0x82: {  	[sflag:s30] =	ssyncadd.s32 $0xFFFFC000  }
0x83: {  	[spmem:s2] =	stream.indirect.scatter.add.f32 [tilespmem:s24], [sflag:$0x4], $0x80, s23, s21, $0xb8;
	[tilespmem:$0x1FF00] =	vst v63  }
0x84: {  	p1 =	seq.s32 s5, $0x240;
	_ =	swait.ge [sflag:s19], $0x4000  }
0x85: {  	s10 =	simm.s32 @!p1 $0x0;
	s9 =	sadd.s32 @!p1 s5, s14;
	[sflag:s19] =	ssyncset.done $0x0  }
0x86: {  	s11 =	simm.s32 @!p1 $0x80;
	s12 =	simm.s32 @!p1 $0x4;
	[sflag:s19] =	ssyncadd.s32 $0xFFFFC000  }
0x87: {  	[tilespmem:s11], [sflag:$0x4] =	stream.linear.gather @!p1 [hbm4b:s9+s10], $0x80, $0x38;
	[tilespmem:$0x1FF00] =	vst v63  }
0x88: {  	_ =	swait.ge @!p1 [sflag:s12], $0x80  }
0x89: {  	[sflag:s12] =	ssyncset.done @!p1 $0x0;
	s9 =	rddreg [dreg:$0x3]  }
0x8a: {  	s13 =	simm.s32 @!p1 $0x200;
	[sflag:s12] =	ssyncadd.s32 @!p1 $0xFFFFFF80;
	s9 =	sadd.s32 @!p1 s5, s9  }
0x8b: {  	[tilespmem:s13], [sflag:$0x4] =	stream.linear.gather @!p1 [hbm4b:s9+s10], $0x80, $0x38;
	[tilespmem:$0x1FF00] =	vst v63  }
0x8c: {  	s8 =	smov.u32 s6;
	s6 =	sadd.s32 $0x30, s6;
	_ =	swait.ge @!p1 [sflag:s12], $0x80  }
0x8d: {  	p0 =	sne.s32 s6, $0x270;
	[sflag:s12] =	ssyncset.done @!p1 $0x0  }
0x8e: {  	s5 =	smov.u32 s8;
	s8 =	simm.s32 @!p1 $0x4300;
	[sflag:s12] =	ssyncadd.s32 @!p1 $0xFFFFFF80  }
0x8f: {  	[tilespmem:s8], [sflag:$0x2] =	stream.indirect.gather @!p1 [hbm4b:s4+s11], $0x80, s11, s11, $0xb8;
	[tilespmem:$0x1FF00] =	vst v63  }
.Ltmp0:
0x90: {  	_ =	swait.ge [sflag:s31], $0x4000;
	(pc) =	sbr.rel @p0 .LBB2_2-.Ltmp0, $4  }
0x91: {  	[sflag:s31] =	ssyncset.done $0x0  }
0x92: {  	[sflag:s31] =	ssyncadd.s32 $0xFFFFC000  }
0x93: {  	[spmem:s2] =	stream.indirect.scatter.add.f32 [tilespmem:s28], [sflag:$0x4], $0x80, s26, s21, $0xb8;
	[tilespmem:$0x1FF00] =	vst v63  }
0x94: {  	_ =	swait.ge [sflag:s19], $0x4000  }
0x95: {  	[sflag:s19] =	ssyncset.done $0x0  }
0x96: {  	s6 =	sadd.s32 s5, s18;
	[sflag:s19] =	ssyncadd.s32 $0xFFFFC000  }
0x97: {  	[tilespmem:s25], [sflag:$0x4] =	stream.linear.gather [hbm4b:s6+s3], $0x80, $0x38;
	[tilespmem:$0x1FF00] =	vst v63  }
0x98: {  	_ =	swait.ge [sflag:s19], $0x80  }
0x99: {  	[sflag:s19] =	ssyncset.done $0x0  }
0x9a: {  	s9 =	sadd.s32 s5, s17;
	[sflag:s19] =	ssyncadd.s32 $0xFFFFFF80  }
0x9b: {  	[tilespmem:s26], [sflag:$0x4] =	stream.linear.gather [hbm4b:s9+s3], $0x80, $0x38;
	[tilespmem:$0x1FF00] =	vst v63  }
0x9c: {  	_ =	swait.ge [sflag:s19], $0x80  }
0x9d: {  	[sflag:s19] =	ssyncset.done $0x0  }
0x9e: {  	[sflag:s19] =	ssyncadd.s32 $0xFFFFFF80  }
0x9f: {  	[tilespmem:s28], [sflag:$0x3] =	stream.indirect.gather [hbm4b:s4+s21], $0x80, s25, s21, $0xb8;
	[tilespmem:$0x1FF00] =	vst v63  }
0xa0: {  	_ =	swait.ge [sflag:s29], $0x4000  }
0xa1: {  	[sflag:s29] =	ssyncset.done $0x0  }
0xa2: {  	[sflag:s29] =	ssyncadd.s32 $0xFFFFC000  }
0xa3: {  	[spmem:s2] =	stream.indirect.scatter.add.f32 [tilespmem:s22], [sflag:$0x4], $0x80, s20, s21, $0xb8;
	[tilespmem:$0x1FF00] =	vst v63  }
0xa4: {  	_ =	swait.ge [sflag:s19], $0x4000  }
0xa5: {  	[sflag:s19] =	ssyncset.done $0x0  }
0xa6: {  	s10 =	sadd.s32 s5, s16;
	[sflag:s19] =	ssyncadd.s32 $0xFFFFC000  }
0xa7: {  	[tilespmem:s3], [sflag:$0x4] =	stream.linear.gather [hbm4b:s10+s3], $0x80, $0x38;
	[tilespmem:$0x1FF00] =	vst v63  }
0xa8: {  	_ =	swait.ge [sflag:s19], $0x80  }
0xa9: {  	[sflag:s19] =	ssyncset.done $0x0  }
0xaa: {  	s11 =	sadd.s32 s5, s15;
	[sflag:s19] =	ssyncadd.s32 $0xFFFFFF80  }
0xab: {  	[tilespmem:s20], [sflag:$0x4] =	stream.linear.gather [hbm4b:s11+s3], $0x80, $0x38;
	[tilespmem:$0x1FF00] =	vst v63  }
0xac: {  	_ =	swait.ge [sflag:s19], $0x80  }
0xad: {  	[sflag:s19] =	ssyncset.done $0x0  }
0xae: {  	[sflag:s19] =	ssyncadd.s32 $0xFFFFFF80  }
0xaf: {  	[tilespmem:s22], [sflag:$0x1] =	stream.indirect.gather [hbm4b:s4+s21], $0x80, s3, s21, $0xb8;
	[tilespmem:$0x1FF00] =	vst v63  }
0xb0: {  	_ =	swait.ge [sflag:s30], $0x4000  }
0xb1: {  	[sflag:s30] =	ssyncset.done $0x0  }
0xb2: {  	[sflag:s30] =	ssyncadd.s32 $0xFFFFC000  }
0xb3: {  	[spmem:s2] =	stream.indirect.scatter.add.f32 [tilespmem:s24], [sflag:$0x4], $0x80, s23, s21, $0xb8;
	[tilespmem:$0x1FF00] =	vst v63  }
0xb4: {  	p0 =	seq.s32 s5, $0x240;
	_ =	swait.ge [sflag:s19], $0x4000  }
0xb5: {  	s8 =	simm.s32 @!p0 $0x0;
	s6 =	sadd.s32 @!p0 s5, s14;
	[sflag:s19] =	ssyncset.done $0x0  }
0xb6: {  	s9 =	simm.s32 @!p0 $0x80;
	s10 =	simm.s32 @!p0 $0x4;
	[sflag:s19] =	ssyncadd.s32 $0xFFFFC000  }
0xb7: {  	[tilespmem:s9], [sflag:$0x4] =	stream.linear.gather @!p0 [hbm4b:s6+s8], $0x80, $0x38;
	[tilespmem:$0x1FF00] =	vst v63  }
0xb8: {  	_ =	swait.ge @!p0 [sflag:s10], $0x80  }
0xb9: {  	s6 =	rddreg [dreg:$0x3];
	[sflag:s10] =	ssyncset.done @!p0 $0x0  }
0xba: {  	[sflag:s10] =	ssyncadd.s32 @!p0 $0xFFFFFF80;
	s5 =	sadd.s32 @!p0 s5, s6;
	s6 =	simm.s32 @!p0 $0x200  }
0xbb: {  	[tilespmem:s6], [sflag:$0x4] =	stream.linear.gather @!p0 [hbm4b:s5+s8], $0x80, $0x38;
	[tilespmem:$0x1FF00] =	vst v63  }
0xbc: {  	_ =	swait.ge @!p0 [sflag:s10], $0x80  }
0xbd: {  	[sflag:s10] =	ssyncset.done @!p0 $0x0  }
0xbe: {  	s5 =	simm.s32 @!p0 $0x4300;
	[sflag:s10] =	ssyncadd.s32 @!p0 $0xFFFFFF80  }
0xbf: {  	[tilespmem:s5], [sflag:$0x2] =	stream.indirect.gather @!p0 [hbm4b:s4+s9], $0x80, s9, s9, $0xb8;
	[tilespmem:$0x1FF00] =	vst v63  }
0xc0: {  	_ =	swait.ge [sflag:s31], $0x4000  }
0xc1: {  	[sflag:s31] =	ssyncset.done $0x0  }
0xc2: {  	[sflag:s31] =	ssyncadd.s32 $0xFFFFC000  }
0xc3: {  	[spmem:s2] =	stream.indirect.scatter.add.f32 [tilespmem:s28], [sflag:$0x4], $0x80, s26, s21, $0xb8;
	[tilespmem:$0x1FF00] =	vst v63  }
0xc4: {  	_ =	swait.ge [sflag:s19], $0x4000  }
0xc5: {  	[sflag:s19] =	ssyncset.done $0x0  }
0xc6: {  	[sflag:s19] =	ssyncadd.s32 $0xFFFFC000  }
0xc7: {  	_ =	swait.ge [sflag:s29], $0x4000  }
0xc8: {  	[sflag:s29] =	ssyncset.done $0x0  }
0xc9: {  	[sflag:s29] =	ssyncadd.s32 $0xFFFFC000  }
0xca: {  	[spmem:s2] =	stream.indirect.scatter.add.f32 [tilespmem:s22], [sflag:$0x4], $0x80, s20, s21, $0xb8;
	[tilespmem:$0x1FF00] =	vst v63  }
0xcb: {  	_ =	swait.ge [sflag:s19], $0x4000  }
0xcc: {  	[sflag:s19] =	ssyncset.done $0x0  }
0xcd: {  	[sflag:s19] =	ssyncadd.s32 $0xFFFFC000  }
0xce: {  	[bflag:$0x0] =	sbarrier.arrive $0xFFFF  }
0xcf: {  	s12 =	rddreg [dreg:$0xa]  }
0xd0: {  	[hbm:s12], [sflag:s7] =	dma.local [spmem:s1], $0x2780  }
0xd1: {  	_ =	swait.ge [sflag:s19], $0x2780  }
0xd2: {  	s0 =	sadd.s32 $0x1, s0;
	s13 =	rddreg [dreg:$0xb]  }
0xd3: {  	p0 =	sne.s32 s0, s13  }
.Ltmp1:
0xd4: {  	_ = 	snop;
	(pc) =	sbr.rel @p0 .LBB2_1-.Ltmp1, $3  }
0xd5: {  	_ =	sdelay $0x1  }
0xd6: {  	[sflag:s19] =	ssyncset.done $0x0  }
0xd7: {  	[sflag:s19] =	ssyncadd.s32 $0xFFFFD880  }
0xd8: {  	_ =	sfence.sel $0x180000  }
0xd9: {  	[bflag:$0x0] =	sbarrier.arrive $0xFFFF  }
0xda: {  	_ =	strace $0x9000004D  }
0xdb: {  	s0 =	stileid.u32;
	[bflag:$0x2] =	sbarrier.arrive $0xFFFF  }
0xdc: {  	p0 =	sne.s32 s0, $0x0;
	s0 =	rddreg [dreg:$0x2]  }
0xdd: {  	s0 =	sadd.s32 @!p0 $0x100000, s0  }
0xde: {  	[sflag:s0] =	ssyncadd.tile.s32 @!p0 $0x1;
	_ =	shalt  }
.Lfunc_end2:
_tile_overlayer_lowered:
.L_overlay_start_2:
0xdf: {  	(tag) =	ssettag $0x2  }
0xe0: {  	s0 =	rddreg [dreg:$0x0];
	s2 =	stileid.u32  }
0xe1: {  	s1 =	rddreg [dreg:$0x1];
	p0 =	sne.s32 s2, $0x0  }
0xe2: {  	s3 =	rddreg [dreg:$0x2];
	[bflag:$0x3] =	sbarrier.arrive $0xFFFF;
	s2 =	simm.s32 @!p0 $0x1C04  }
0xe3: {  	[timem:s3], [sflag:s2] =	dma.local @!p0 [hbm:s0], s1  }
0xe4: {  	s0 =	simm.s32 @!p0 $0x4  }
0xe5: {  	_ =	swait.ge @!p0 [sflag:s0], s1  }
0xe6: {  	s1 =	ssub.s32 @!p0 $0x0, s1;
	[sflag:s0] =	ssyncset.done @!p0 $0x0  }
0xe7: {  	[sflag:s0] =	ssyncadd.s32 @!p0 s1  }
0xe8: {  	[bflag:$0x3] =	sbarrier.arrive $0xFFFF  }
0xe9: {  	_ =	shalt  }

</sc_bundles>
